<compile_context>
chip_gen: v7x
topology: tpu7x:2x2x1
jax: 0.10.2.dev20260603
libtpu: 0.0.44.dev20260713+nightly
codegen_flags: <defaults>
</compile_context>

<pallas_src>
import functools
import math

import jax
import jax.numpy as jnp
from jax.experimental import pallas as pl
from jax.experimental.pallas import tpu as pltpu
from jax.experimental.pallas import tpu_sc as plsc

_D_MODEL = 1024
_D_FF = 4096
_E = 64
_CF = 1.0
_ALPHA = 0.01
_ZLOSS = 0.001

_FC = 1024
_W = 128


def _router_body(tok_ref, rw_ref, dest_ref, cnt_ref, sx_ref, aux_ref):
    t = tok_ref.shape[0]
    e = rw_ref.shape[0]
    cap = max(int(math.ceil(t / float(e) * _CF)), 1)
    dummy = e * cap

    tok = tok_ref[...]
    rw = rw_ref[...]
    logits = jax.lax.dot_general(
        tok, rw, (((1,), (1,)), ((), ())),
        preferred_element_type=jnp.float32)
    m = jnp.max(logits, axis=-1, keepdims=True)
    unnorm = jnp.exp(logits - m)
    denom = jnp.sum(unnorm, axis=-1, keepdims=True)
    probs = unnorm / denom
    top_p = jnp.max(probs, axis=-1)
    iota_e = jax.lax.broadcasted_iota(jnp.int32, (t, e), 1)
    top_i = jnp.min(jnp.where(probs == top_p[:, None], iota_e, e), axis=-1)
    oh = (top_i[:, None] == iota_e)
    oh_f = oh.astype(jnp.float32)
    oh_b = oh.astype(jnp.bfloat16)
    ir = jax.lax.broadcasted_iota(jnp.int32, (t, t), 0)
    ic = jax.lax.broadcasted_iota(jnp.int32, (t, t), 1)
    lt = (ir >= ic).astype(jnp.bfloat16)
    cum = jax.lax.dot_general(
        lt, oh_b, (((1,), (0,)), ((), ())),
        preferred_element_type=jnp.float32)
    pos = jnp.sum(cum * oh_f, axis=-1) - 1.0
    pos_i = pos.astype(jnp.int32)
    fits = pos_i < cap
    dest = jnp.where(fits, top_i * cap + pos_i, dummy)
    scale = jnp.where(fits, top_p, 0.0)

    counts = jnp.sum(oh_f, axis=0)
    fi = counts / t
    pi = jnp.mean(probs, axis=0)
    aux = _ALPHA * e * jnp.sum(fi * pi)
    lse = m[:, 0] + jnp.log(denom[:, 0])
    z = jnp.mean(lse * lse)

    dest_ref[...] = dest[:, None]
    cnt_ref[...] = counts.astype(jnp.int32)[:, None]
    sx_ref[...] = tok * scale[:, None]
    aux_ref[...] = jnp.broadcast_to(aux + _ZLOSS * z, (1, 1))


def _route(tokens, router_w):
    t = tokens.shape[0]
    e = router_w.shape[0]
    return pl.pallas_call(
        _router_body,
        out_shape=(
            jax.ShapeDtypeStruct((t, 1), jnp.int32),
            jax.ShapeDtypeStruct((e, 1), jnp.int32),
            jax.ShapeDtypeStruct(tokens.shape, jnp.float32),
            jax.ShapeDtypeStruct((1, 1), jnp.float32),
        ),
    )(tokens, router_w)


def _invert(dest_row, t, n_slots):
    mesh = plsc.VectorSubcoreMesh(core_axis_name="c", subcore_axis_name="s")
    tok_ids = jnp.broadcast_to(
        jax.lax.iota(jnp.int32, t)[:, None], (t, _W))

    @pl.kernel(out_type=jax.ShapeDtypeStruct((n_slots, _W), jnp.int32),
               mesh=mesh)
    def k(x_hbm, i_hbm, o_hbm):
        def body(x_vmem, i_vmem):
            pltpu.sync_copy(x_vmem, o_hbm.at[i_vmem.at[0]])

        pltpu.emit_pipeline(
            body,
            grid=(t // _W,),
            in_specs=[
                pl.BlockSpec((_W, _W), lambda i: (i, 0)),
                pl.BlockSpec((1, _W), lambda i: (0, i)),
            ],
            out_specs=[],
            core_axis_name=("c", "s"),
            dimension_semantics=(pltpu.PARALLEL,),
        )(x_hbm, i_hbm)

    return k(tok_ids, dest_row)


def _moe_body(inv_ref, cnt_ref, sx_ref, w1_ref, b1_ref, w2_ref, b2_ref,
              y_ref, acc_ref, xsc_ref, *, cap):
    e = pl.program_id(0)
    f = pl.program_id(1)
    nf = pl.num_programs(1)
    t = sx_ref.shape[0]

    @pl.when(jnp.logical_and(e == 0, f == 0))
    def _():
        y_ref[...] = jnp.zeros_like(y_ref)

    cnt = cnt_ref[e]

    @pl.when(f == 0)
    def _():
        for i in range(cap):
            tok = jnp.where(i < cnt, inv_ref[e * cap + i], 0)
            tok = jnp.clip(tok, 0, t - 1)
            xsc_ref[pl.ds(i, 1), :] = sx_ref[pl.ds(tok, 1), :]
        acc_ref[...] = jnp.broadcast_to(b2_ref[0], acc_ref.shape)

    xb = xsc_ref[...].astype(jnp.bfloat16)
    w1 = w1_ref[0].astype(jnp.bfloat16)
    w2 = w2_ref[0].astype(jnp.bfloat16)
    h = jax.lax.dot_general(
        xb, w1, (((1,), (0,)), ((), ())),
        preferred_element_type=jnp.float32)
    h = jnp.maximum(h + b1_ref[0], 0.0).astype(jnp.bfloat16)
    acc_ref[...] += jax.lax.dot_general(
        h, w2, (((1,), (0,)), ((), ())),
        preferred_element_type=jnp.float32)

    @pl.when(f == nf - 1)
    def _():
        for i in range(cap):
            tok = jnp.clip(inv_ref[e * cap + i], 0, t - 1)

            @pl.when(i < cnt)
            def _():
                y_ref[pl.ds(tok, 1), :] = acc_ref[pl.ds(i, 1), :]


def _moe(inv, counts, sx, w1, b1, w2, b2, cap):
    e = w1.shape[0]
    t, d = sx.shape
    nf = _D_FF // _FC
    return pl.pallas_call(
        functools.partial(_moe_body, cap=cap),
        grid=(e, nf),
        in_specs=[
            pl.BlockSpec(memory_space=pltpu.SMEM),
            pl.BlockSpec(memory_space=pltpu.SMEM),
            pl.BlockSpec((t, d), lambda i, j: (0, 0)),
            pl.BlockSpec((1, d, _FC), lambda i, j: (i, 0, j)),
            pl.BlockSpec((1, 1, _FC), lambda i, j: (i, 0, j)),
            pl.BlockSpec((1, _FC, d), lambda i, j: (i, j, 0)),
            pl.BlockSpec((1, 1, d), lambda i, j: (i, 0, 0)),
        ],
        out_specs=pl.BlockSpec((t, d), lambda i, j: (0, 0)),
        out_shape=jax.ShapeDtypeStruct((t, d), jnp.float32),
        scratch_shapes=[
            pltpu.VMEM((cap, d), jnp.float32),
            pltpu.VMEM((cap, d), jnp.float32),
        ],
        compiler_params=pltpu.CompilerParams(
            dimension_semantics=("arbitrary", "arbitrary")),
    )(inv, counts, sx, w1, b1.reshape(e, 1, _D_FF), w2, b2.reshape(e, 1, d))


def kernel(x, router_w, w1, b1, w2, b2):
    t = x.shape[0] * x.shape[1]
    d = x.shape[2]
    e = router_w.shape[0]
    cap = max(int(math.ceil(t / float(e) * _CF)), 1)
    tokens = x.reshape(t, d)

    dest, counts, sx, aux = _route(tokens, router_w)

    n_slots = e * cap + _W
    inv = _invert(dest.reshape(1, t), t, n_slots)[:e * cap, 0]

    y = _moe(inv, counts.reshape(e), sx, w1, b1, w2, b2, cap)
    return y.reshape(x.shape), aux[0, 0]

# --- scband reference (transcript-rebuilt; emitter-appended) ---
"""Pipeline reference for scband-switch-ffn-58222576665158 (READ-ONLY COPY).

The authoritative reference and input builder live on the scoring server;
editing this copy changes nothing except your own understanding.
"""

import math
import jax
import jax.numpy as jnp
import numpy as np

D_MODEL = 1024
D_FF = 4096
E = 64
CF = 1.0
ALPHA = 0.01
ZLOSS = 0.001


def setup_inputs(seed: int = 0) -> dict:
    key = jax.random.key(seed)
    ks = jax.random.split(key, 6)
    x = jax.random.normal(ks[0], (1, 2048, D_MODEL), dtype=jnp.float32)
    s = 0.1
    router_w = jax.random.normal(ks[1], (E, D_MODEL), dtype=jnp.float32) * (s * (1.0 / D_MODEL) ** 0.5)
    w1 = jax.random.normal(ks[2], (E, D_MODEL, D_FF), dtype=jnp.float32) * (s * (1.0 / D_MODEL) ** 0.5)
    b1 = jnp.zeros((E, D_FF), dtype=jnp.float32)
    w2 = jax.random.normal(ks[3], (E, D_FF, D_MODEL), dtype=jnp.float32) * (s * (1.0 / D_FF) ** 0.5)
    b2 = jnp.zeros((E, D_MODEL), dtype=jnp.float32)
    return {"x": x, "router_w": router_w, "w1": w1, "b1": b1, "w2": w2, "b2": b2}


def reference(x, router_w, w1, b1, w2, b2):
    tokens = x.reshape(-1, D_MODEL)
    T = tokens.shape[0]
    # router (dropout disabled, noise eps = 0 -> deterministic)
    router_logits = tokens @ router_w.T
    router_probs = jax.nn.softmax(router_logits.astype(jnp.float32), axis=-1)
    top1_idx = jnp.argmax(router_probs, axis=-1)
    top1_prob = jnp.max(router_probs, axis=-1)
    # load-balancing aux loss
    counts = jnp.bincount(top1_idx, length=E).astype(router_probs.dtype)
    fi = counts / T
    Pi = router_probs.mean(axis=0)
    aux_loss = ALPHA * E * jnp.dot(fi, Pi)
    z_loss = jnp.mean(jnp.square(jax.scipy.special.logsumexp(router_logits, axis=-1)))
    aux_loss = aux_loss + ZLOSS * z_loss
    # capacity-based top-1 dispatch
    expert_capacity = max(int(math.ceil(T / float(E) * CF)), 1)
    oh = jax.nn.one_hot(top1_idx, E, dtype=jnp.int32)
    cum = jnp.cumsum(oh, axis=0) - 1
    pos_tok = jnp.take_along_axis(cum, top1_idx[:, None], axis=1)[:, 0]
    fits = pos_tok < expert_capacity
    pos_clip = jnp.where(fits, pos_tok, 0)
    vals = tokens * fits[:, None].astype(tokens.dtype)
    expert_in = jnp.zeros((E, expert_capacity, D_MODEL), dtype=tokens.dtype)
    expert_in = expert_in.at[top1_idx, pos_clip].add(vals)
    # expert FFN: Linear -> ReLU -> Linear (dropout disabled)
    h = jax.nn.relu(jnp.einsum('ecd,edf->ecf', expert_in, w1) + b1[:, None, :])
    expert_out = jnp.einsum('ecf,efd->ecd', h, w2) + b2[:, None, :]
    # combine: gather each token's slot, scale by router prob; dropped tokens -> 0
    gathered = expert_out[top1_idx, pos_clip]
    scale = (top1_prob * fits.astype(top1_prob.dtype))[:, None]
    y = (gathered * scale.astype(gathered.dtype)).reshape(x.shape)
    return y, aux_loss

if __name__ == "__main__":
    import jax
    _d = setup_inputs()
    print(jax.jit(kernel)(*tuple(_d.values())))

</pallas_src>

<mosaic_0001>
#map = affine_map<(d0, d1) -> (0, 0)>
module attributes {stable_mosaic.version = 14 : i64} {
  func.func @k(%arg0: i32, %arg1: i32, %arg2: memref<2048x128xi32, #tpu.memory_space<hbm>>, %arg3: memref<1x2048xi32, #tpu.memory_space<hbm>>, %arg4: memref<2176x128xi32, #tpu.memory_space<hbm>>) attributes {dimension_semantics = [#tpu.dimension_semantics<core_parallel>, #tpu.dimension_semantics<subcore_parallel>], iteration_bounds = array<i64: 2, 16>, scalar_prefetch = 0 : i64, scratch_operands = 0 : i64, tpu.core_type = #tpu.core_type<sc_vector_subcore>, window_params = [{transform_indices = #map}, {transform_indices = #map}, {transform_indices = #map}]} {
    %mul3A = arith.constant 1 : i32
    %mul3A_0 = arith.muli %arg1, %mul3A : i32
    %add3A = arith.constant 0 : i32
    %add3A_1 = arith.addi %add3A, %mul3A_0 : i32
    %mul3A_2 = arith.constant 16 : i32
    %mul3A_3 = arith.muli %arg0, %mul3A_2 : i32
    %add3A_4 = arith.addi %add3A_1, %mul3A_3 : i32
    %lt3A = arith.constant 16 : i32
    %lt3A_5 = arith.cmpi slt, %add3A_4, %lt3A : i32
    %jit3A = arith.constant 1 : i32
    %jit3A_6 = arith.constant 0 : i32
    %select_n3A = arith.select %lt3A_5, %jit3A, %jit3A_6 : i32
    %lt3A_7 = arith.constant 16 : i32
    %lt3A_8 = arith.cmpi slt, %add3A_4, %lt3A_7 : i32
    %mul3A_9 = arith.muli %add3A_4, %select_n3A : i32
    %mul3A_10 = arith.constant 0 : i32
    %mul3A_11 = arith.muli %add3A_4, %mul3A_10 : i32
    %add3A_12 = arith.constant 16 : i32
    %add3A_13 = arith.addi %mul3A_11, %add3A_12 : i32
    %select_n3A_14 = arith.select %lt3A_8, %mul3A_9, %add3A_13 : i32
    %mul3A_15 = arith.constant 1 : i32
    %mul3A_16 = arith.muli %mul3A_15, %select_n3A : i32
    "tpu.region"() ({
      %run_scoped3A = memref.alloca() : memref<2x128x128xi32, #tpu.memory_space<vmem>>
      %run_scoped3A_17 = tpu.sem_alloc : memref<2x!tpu.dma_semaphore, #tpu.memory_space<semaphore_mem>>
      %run_scoped3A_18 = memref.alloca() : memref<2x1x128xi32, #tpu.memory_space<vmem>>
      %run_scoped3A_19 = tpu.sem_alloc : memref<2x!tpu.dma_semaphore, #tpu.memory_space<semaphore_mem>>
      %gt3A = arith.constant 0 : i32
      %gt3A_20 = arith.cmpi sgt, %mul3A_16, %gt3A : i32
      %convert_element_type3A = arith.extui %gt3A_20 : i1 to i32
      %cond3A = arith.constant 0 : i32
      %cond3A_21 = arith.cmpi ne, %convert_element_type3A, %cond3A : i32
      scf.if %cond3A_21 {
        %mul3A_22 = arith.constant 1 : i32
        %mul3A_23 = arith.muli %mul3A_22, %select_n3A : i32
        %sub3A = arith.constant 1 : i32
        %sub3A_24 = arith.subi %mul3A_23, %sub3A : i32
        %eq3A = arith.constant 0 : i32
        %eq3A_25 = arith.cmpi eq, %sub3A_24, %eq3A : i32
        %add3A_26 = arith.constant 0 : i32
        %add3A_27 = arith.addi %add3A_26, %select_n3A_14 : i32
        %select_n3A_28 = arith.constant true
        %select_n3A_29 = arith.constant 0 : i32
        %select_n3A_30 = arith.constant -1 : i32
        %select_n3A_31 = arith.select %select_n3A_28, %select_n3A_30, %select_n3A_29 : i32
        %eq3A_32 = arith.constant -1 : i32
        %eq3A_33 = arith.cmpi eq, %select_n3A_31, %eq3A_32 : i32
        %sub3A_34 = arith.constant 1 : i32
        %sub3A_35 = arith.subi %select_n3A, %sub3A_34 : i32
        %select_n3A_36 = arith.select %eq3A_33, %sub3A_35, %select_n3A_31 : i32
        %add3A_37 = arith.addi %select_n3A_36, %select_n3A_14 : i32
        %select_n3A_38 = arith.constant true
        %select_n3A_39 = arith.constant 0 : i32
        %select_n3A_40 = arith.constant 1 : i32
        %select_n3A_41 = arith.select %select_n3A_38, %select_n3A_40, %select_n3A_39 : i32
        %eq3A_42 = arith.cmpi eq, %select_n3A_41, %select_n3A : i32
        %select_n3A_43 = arith.constant 0 : i32
        %select_n3A_44 = arith.select %eq3A_42, %select_n3A_43, %select_n3A_41 : i32
        %add3A_45 = arith.addi %select_n3A_44, %select_n3A_14 : i32
        %add3A_46 = arith.constant 1 : i32
        %add3A_47 = arith.addi %select_n3A_44, %add3A_46 : i32
        %select_n3A_48 = arith.constant true
        %select_n3A_49 = arith.select %select_n3A_48, %add3A_47, %select_n3A_44 : i32
        %eq3A_50 = arith.cmpi eq, %select_n3A_49, %select_n3A : i32
        %select_n3A_51 = arith.constant 0 : i32
        %select_n3A_52 = arith.select %eq3A_50, %select_n3A_51, %select_n3A_49 : i32
        %add3A_53 = arith.addi %select_n3A_52, %select_n3A_14 : i32
        "tpu.trace_start"() <{level = 10 : i32, message = "ep_initialize_0"}> : () -> ()
        %rem3A = arith.constant 0 : i32
        %rem3A_54 = arith.constant 2 : i32
        %rem3A_55 = arith.remui %rem3A, %rem3A_54 : i32
        %mul3A_56 = arith.constant 128 : i32
        %mul3A_57 = arith.muli %mul3A_56, %add3A_27 : i32
        %dma_start3A = arith.constant 0 : i32
        %dma_start3A_58 = arith.constant 0 : i32
        %dma_start3A_59 = tpu.memref_slice %run_scoped3A[%rem3A_55, %dma_start3A, %dma_start3A_58] : memref<2x128x128xi32, #tpu.memory_space<vmem>> -> memref<1x128x128xi32, #tpu.memory_space<vmem>>
        %dma_start3A_60 = tpu.memref_squeeze %dma_start3A_59 : memref<1x128x128xi32, #tpu.memory_space<vmem>> -> memref<128x128xi32, #tpu.memory_space<vmem>>
        %dma_start3A_61 = arith.constant 0 : i32
        %dma_start3A_62 = tpu.memref_slice %arg2[%mul3A_57, %dma_start3A_61] : memref<2048x128xi32, #tpu.memory_space<hbm>> -> memref<128x128xi32, #tpu.memory_space<hbm>>
        %dma_start3A_63 = tpu.memref_slice %run_scoped3A_17[%rem3A_55] : memref<2x!tpu.dma_semaphore, #tpu.memory_space<semaphore_mem>> -> memref<1x!tpu.dma_semaphore, #tpu.memory_space<semaphore_mem>>
        %dma_start3A_64 = tpu.memref_squeeze %dma_start3A_63 : memref<1x!tpu.dma_semaphore, #tpu.memory_space<semaphore_mem>> -> memref<!tpu.dma_semaphore, #tpu.memory_space<semaphore_mem>>
        %dma_start3A_65 = arith.constant 0 : i32
        %dma_start3A_66 = arith.constant 0 : i32
        %dma_start3A_67 = tpu.memref_slice %run_scoped3A[%rem3A_55, %dma_start3A_65, %dma_start3A_66] : memref<2x128x128xi32, #tpu.memory_space<vmem>> -> memref<1x128x128xi32, #tpu.memory_space<vmem>>
        %dma_start3A_68 = tpu.memref_squeeze %dma_start3A_67 : memref<1x128x128xi32, #tpu.memory_space<vmem>> -> memref<128x128xi32, #tpu.memory_space<vmem>>
        %dma_start3A_69 = arith.constant 0 : i32
        %dma_start3A_70 = tpu.memref_slice %arg2[%mul3A_57, %dma_start3A_69] : memref<2048x128xi32, #tpu.memory_space<hbm>> -> memref<128x128xi32, #tpu.memory_space<hbm>>
        tpu.enqueue_dma source(%dma_start3A_70 : memref<128x128xi32, #tpu.memory_space<hbm>>) target(%dma_start3A_68 : memref<128x128xi32, #tpu.memory_space<vmem>>) target_semaphore(%dma_start3A_64 : memref<!tpu.dma_semaphore, #tpu.memory_space<semaphore_mem>>)
        %add3A_71 = arith.constant 0 : i32
        %add3A_72 = arith.constant 1 : i32
        %add3A_73 = arith.addi %add3A_71, %add3A_72 : i32
        %select_n3A_74 = arith.constant true
        %select_n3A_75 = arith.constant 0 : i32
        %select_n3A_76 = arith.select %select_n3A_74, %add3A_73, %select_n3A_75 : i32
        %rem3A_77 = arith.constant 0 : i32
        %rem3A_78 = arith.constant 2 : i32
        %rem3A_79 = arith.remui %rem3A_77, %rem3A_78 : i32
        %mul3A_80 = arith.constant 128 : i32
        %mul3A_81 = arith.muli %mul3A_80, %add3A_27 : i32
        %dma_start3A_82 = arith.constant 0 : i32
        %dma_start3A_83 = arith.constant 0 : i32
        %dma_start3A_84 = tpu.memref_slice %run_scoped3A_18[%rem3A_79, %dma_start3A_82, %dma_start3A_83] : memref<2x1x128xi32, #tpu.memory_space<vmem>> -> memref<1x1x128xi32, #tpu.memory_space<vmem>>
        %dma_start3A_85 = tpu.memref_squeeze %dma_start3A_84 : memref<1x1x128xi32, #tpu.memory_space<vmem>> -> memref<1x128xi32, #tpu.memory_space<vmem>>
        %dma_start3A_86 = arith.constant 0 : i32
        %dma_start3A_87 = tpu.memref_slice %arg3[%dma_start3A_86, %mul3A_81] : memref<1x2048xi32, #tpu.memory_space<hbm>> -> memref<1x128xi32, #tpu.memory_space<hbm>>
        %dma_start3A_88 = tpu.memref_slice %run_scoped3A_19[%rem3A_79] : memref<2x!tpu.dma_semaphore, #tpu.memory_space<semaphore_mem>> -> memref<1x!tpu.dma_semaphore, #tpu.memory_space<semaphore_mem>>
        %dma_start3A_89 = tpu.memref_squeeze %dma_start3A_88 : memref<1x!tpu.dma_semaphore, #tpu.memory_space<semaphore_mem>> -> memref<!tpu.dma_semaphore, #tpu.memory_space<semaphore_mem>>
        %dma_start3A_90 = arith.constant 0 : i32
        %dma_start3A_91 = arith.constant 0 : i32
        %dma_start3A_92 = tpu.memref_slice %run_scoped3A_18[%rem3A_79, %dma_start3A_90, %dma_start3A_91] : memref<2x1x128xi32, #tpu.memory_space<vmem>> -> memref<1x1x128xi32, #tpu.memory_space<vmem>>
        %dma_start3A_93 = tpu.memref_squeeze %dma_start3A_92 : memref<1x1x128xi32, #tpu.memory_space<vmem>> -> memref<1x128xi32, #tpu.memory_space<vmem>>
        %dma_start3A_94 = arith.constant 0 : i32
        %dma_start3A_95 = tpu.memref_slice %arg3[%dma_start3A_94, %mul3A_81] : memref<1x2048xi32, #tpu.memory_space<hbm>> -> memref<1x128xi32, #tpu.memory_space<hbm>>
        tpu.enqueue_dma source(%dma_start3A_95 : memref<1x128xi32, #tpu.memory_space<hbm>>) target(%dma_start3A_93 : memref<1x128xi32, #tpu.memory_space<vmem>>) target_semaphore(%dma_start3A_89 : memref<!tpu.dma_semaphore, #tpu.memory_space<semaphore_mem>>)
        %add3A_96 = arith.constant 0 : i32
        %add3A_97 = arith.constant 1 : i32
        %add3A_98 = arith.addi %add3A_96, %add3A_97 : i32
        %select_n3A_99 = arith.constant true
        %select_n3A_100 = arith.constant 0 : i32
        %select_n3A_101 = arith.select %select_n3A_99, %add3A_98, %select_n3A_100 : i32
        %while3A = arith.constant 0 : i32
        %while3A_102 = arith.constant 0 : i32
        %while3A_103 = arith.constant 0 : i32
        %while3A_104 = arith.constant 0 : i32
        "tpu.trace_stop"() : () -> ()
        %while3A_105 = arith.subi %mul3A_16, %while3A : i32
        %while3A_106 = arith.addi %while3A, %while3A_105 : i32
        %while3A_107 = arith.constant 1 : i32
        %while3A_108 = arith.divsi %while3A_105, %while3A_107 : i32
        %while3A_109 = arith.muli %while3A_108, %while3A_107 : i32
        %while3A_110 = arith.addi %while3A, %while3A_109 : i32
        %while3A_111 = arith.constant 1 : i32
        %while3A_112:5 = scf.for %while3A_166 = %while3A to %while3A_110 step %while3A_111 iter_args(%while3A_167 = %select_n3A_76, %while3A_168 = %while3A_102, %while3A_169 = %select_n3A_101, %while3A_170 = %while3A_103, %while3A_171 = %while3A_104) -> (i32, i32, i32, i32, i32)  : i32 {
          %mul3A_172 = arith.constant 1 : i32
          %mul3A_173 = arith.muli %mul3A_172, %select_n3A : i32
          %eq3A_174 = arith.constant 0 : i32
          %eq3A_175 = arith.cmpi eq, %while3A_166, %eq3A_174 : i32
          %sub3A_176 = arith.constant 1 : i32
          %sub3A_177 = arith.subi %mul3A_173, %sub3A_176 : i32
          %eq3A_178 = arith.cmpi eq, %while3A_166, %sub3A_177 : i32
          %add3A_179 = arith.addi %while3A_171, %select_n3A_14 : i32
          %sub3A_180 = arith.constant 1 : i32
          %sub3A_181 = arith.subi %while3A_171, %sub3A_180 : i32
          %select_n3A_182 = arith.constant true
          %select_n3A_183 = arith.select %select_n3A_182, %sub3A_181, %while3A_171 : i32
          %eq3A_184 = arith.constant -1 : i32
          %eq3A_185 = arith.cmpi eq, %select_n3A_183, %eq3A_184 : i32
          %sub3A_186 = arith.constant 1 : i32
          %sub3A_187 = arith.subi %select_n3A, %sub3A_186 : i32
          %select_n3A_188 = arith.select %eq3A_185, %sub3A_187, %select_n3A_183 : i32
          %add3A_189 = arith.addi %select_n3A_188, %select_n3A_14 : i32
          %add3A_190 = arith.constant 1 : i32
          %add3A_191 = arith.addi %while3A_171, %add3A_190 : i32
          %select_n3A_192 = arith.constant true
          %select_n3A_193 = arith.select %select_n3A_192, %add3A_191, %while3A_171 : i32
          %eq3A_194 = arith.cmpi eq, %select_n3A_193, %select_n3A : i32
          %select_n3A_195 = arith.constant 0 : i32
          %select_n3A_196 = arith.select %eq3A_194, %select_n3A_195, %select_n3A_193 : i32
          %add3A_197 = arith.addi %select_n3A_196, %select_n3A_14 : i32
          %add3A_198 = arith.constant 1 : i32
          %add3A_199 = arith.addi %select_n3A_196, %add3A_198 : i32
          %select_n3A_200 = arith.constant true
          %select_n3A_201 = arith.select %select_n3A_200, %add3A_199, %select_n3A_196 : i32
          %eq3A_202 = arith.cmpi eq, %select_n3A_201, %select_n3A : i32
          %select_n3A_203 = arith.constant 0 : i32
          %select_n3A_204 = arith.select %eq3A_202, %select_n3A_203, %select_n3A_201 : i32
          %add3A_205 = arith.addi %select_n3A_204, %select_n3A_14 : i32
          %ne3A = arith.cmpi ne, %add3A_179, %add3A_197 : i32
          %or3A = arith.constant false
          %or3A_206 = arith.ori %or3A, %ne3A : i1
          %or3A_207 = arith.constant false
          %or3A_208 = arith.ori %or3A_206, %or3A_207 : i1
          %sub3A_209 = arith.constant 2 : i32
          %sub3A_210 = arith.subi %mul3A_173, %sub3A_209 : i32
          %add3A_211 = arith.constant 1 : i32
          %add3A_212 = arith.addi %sub3A_210, %add3A_211 : i32
          %ge3A = arith.cmpi sge, %while3A_166, %add3A_212 : i32
          %not3A = arith.constant true
          %not3A_213 = arith.xori %ge3A, %not3A : i1
          %and3A = arith.andi %or3A_208, %not3A_213 : i1
          %convert_element_type3A_214 = arith.extui %and3A : i1 to i32
          %cond3A_215 = arith.constant 0 : i32
          %cond3A_216 = arith.cmpi ne, %convert_element_type3A_214, %cond3A_215 : i32
          scf.if %cond3A_216 {
            "tpu.trace_start"() <{level = 10 : i32, message = "ep_copy_in"}> : () -> ()
            %rem3A_329 = arith.constant 2 : i32
            %rem3A_330 = arith.remui %while3A_167, %rem3A_329 : i32
            %mul3A_331 = arith.constant 128 : i32
            %mul3A_332 = arith.muli %mul3A_331, %add3A_197 : i32
            %dma_start3A_333 = arith.constant 0 : i32
            %dma_start3A_334 = arith.constant 0 : i32
            %dma_start3A_335 = tpu.memref_slice %run_scoped3A[%rem3A_330, %dma_start3A_333, %dma_start3A_334] : memref<2x128x128xi32, #tpu.memory_space<vmem>> -> memref<1x128x128xi32, #tpu.memory_space<vmem>>
            %dma_start3A_336 = tpu.memref_squeeze %dma_start3A_335 : memref<1x128x128xi32, #tpu.memory_space<vmem>> -> memref<128x128xi32, #tpu.memory_space<vmem>>
            %dma_start3A_337 = arith.constant 0 : i32
            %dma_start3A_338 = tpu.memref_slice %arg2[%mul3A_332, %dma_start3A_337] : memref<2048x128xi32, #tpu.memory_space<hbm>> -> memref<128x128xi32, #tpu.memory_space<hbm>>
            %dma_start3A_339 = tpu.memref_slice %run_scoped3A_17[%rem3A_330] : memref<2x!tpu.dma_semaphore, #tpu.memory_space<semaphore_mem>> -> memref<1x!tpu.dma_semaphore, #tpu.memory_space<semaphore_mem>>
            %dma_start3A_340 = tpu.memref_squeeze %dma_start3A_339 : memref<1x!tpu.dma_semaphore, #tpu.memory_space<semaphore_mem>> -> memref<!tpu.dma_semaphore, #tpu.memory_space<semaphore_mem>>
            %dma_start3A_341 = arith.constant 0 : i32
            %dma_start3A_342 = arith.constant 0 : i32
            %dma_start3A_343 = tpu.memref_slice %run_scoped3A[%rem3A_330, %dma_start3A_341, %dma_start3A_342] : memref<2x128x128xi32, #tpu.memory_space<vmem>> -> memref<1x128x128xi32, #tpu.memory_space<vmem>>
            %dma_start3A_344 = tpu.memref_squeeze %dma_start3A_343 : memref<1x128x128xi32, #tpu.memory_space<vmem>> -> memref<128x128xi32, #tpu.memory_space<vmem>>
            %dma_start3A_345 = arith.constant 0 : i32
            %dma_start3A_346 = tpu.memref_slice %arg2[%mul3A_332, %dma_start3A_345] : memref<2048x128xi32, #tpu.memory_space<hbm>> -> memref<128x128xi32, #tpu.memory_space<hbm>>
            tpu.enqueue_dma source(%dma_start3A_346 : memref<128x128xi32, #tpu.memory_space<hbm>>) target(%dma_start3A_344 : memref<128x128xi32, #tpu.memory_space<vmem>>) target_semaphore(%dma_start3A_340 : memref<!tpu.dma_semaphore, #tpu.memory_space<semaphore_mem>>)
            "tpu.trace_stop"() : () -> ()
          } else {
          }
          %and3A_217 = arith.constant true
          %and3A_218 = arith.andi %and3A, %and3A_217 : i1
          %add3A_219 = arith.constant 1 : i32
          %add3A_220 = arith.addi %while3A_167, %add3A_219 : i32
          %select_n3A_221 = arith.select %and3A_218, %add3A_220, %while3A_167 : i32
          %ne3A_222 = arith.cmpi ne, %add3A_179, %add3A_197 : i32
          %or3A_223 = arith.constant false
          %or3A_224 = arith.ori %or3A_223, %ne3A_222 : i1
          %sub3A_225 = arith.constant 2 : i32
          %sub3A_226 = arith.subi %mul3A_173, %sub3A_225 : i32
          %add3A_227 = arith.constant 1 : i32
          %add3A_228 = arith.addi %sub3A_226, %add3A_227 : i32
          %ge3A_229 = arith.cmpi sge, %while3A_166, %add3A_228 : i32
          %not3A_230 = arith.constant true
          %not3A_231 = arith.xori %ge3A_229, %not3A_230 : i1
          %and3A_232 = arith.andi %or3A_224, %not3A_231 : i1
          %convert_element_type3A_233 = arith.extui %and3A_232 : i1 to i32
          %cond3A_234 = arith.constant 0 : i32
          %cond3A_235 = arith.cmpi ne, %convert_element_type3A_233, %cond3A_234 : i32
          scf.if %cond3A_235 {
            "tpu.trace_start"() <{level = 10 : i32, message = "ep_copy_in"}> : () -> ()
            %rem3A_329 = arith.constant 2 : i32
            %rem3A_330 = arith.remui %while3A_169, %rem3A_329 : i32
            %mul3A_331 = arith.constant 128 : i32
            %mul3A_332 = arith.muli %mul3A_331, %add3A_197 : i32
            %dma_start3A_333 = arith.constant 0 : i32
            %dma_start3A_334 = arith.constant 0 : i32
            %dma_start3A_335 = tpu.memref_slice %run_scoped3A_18[%rem3A_330, %dma_start3A_333, %dma_start3A_334] : memref<2x1x128xi32, #tpu.memory_space<vmem>> -> memref<1x1x128xi32, #tpu.memory_space<vmem>>
            %dma_start3A_336 = tpu.memref_squeeze %dma_start3A_335 : memref<1x1x128xi32, #tpu.memory_space<vmem>> -> memref<1x128xi32, #tpu.memory_space<vmem>>
            %dma_start3A_337 = arith.constant 0 : i32
            %dma_start3A_338 = tpu.memref_slice %arg3[%dma_start3A_337, %mul3A_332] : memref<1x2048xi32, #tpu.memory_space<hbm>> -> memref<1x128xi32, #tpu.memory_space<hbm>>
            %dma_start3A_339 = tpu.memref_slice %run_scoped3A_19[%rem3A_330] : memref<2x!tpu.dma_semaphore, #tpu.memory_space<semaphore_mem>> -> memref<1x!tpu.dma_semaphore, #tpu.memory_space<semaphore_mem>>
            %dma_start3A_340 = tpu.memref_squeeze %dma_start3A_339 : memref<1x!tpu.dma_semaphore, #tpu.memory_space<semaphore_mem>> -> memref<!tpu.dma_semaphore, #tpu.memory_space<semaphore_mem>>
            %dma_start3A_341 = arith.constant 0 : i32
            %dma_start3A_342 = arith.constant 0 : i32
            %dma_start3A_343 = tpu.memref_slice %run_scoped3A_18[%rem3A_330, %dma_start3A_341, %dma_start3A_342] : memref<2x1x128xi32, #tpu.memory_space<vmem>> -> memref<1x1x128xi32, #tpu.memory_space<vmem>>
            %dma_start3A_344 = tpu.memref_squeeze %dma_start3A_343 : memref<1x1x128xi32, #tpu.memory_space<vmem>> -> memref<1x128xi32, #tpu.memory_space<vmem>>
            %dma_start3A_345 = arith.constant 0 : i32
            %dma_start3A_346 = tpu.memref_slice %arg3[%dma_start3A_345, %mul3A_332] : memref<1x2048xi32, #tpu.memory_space<hbm>> -> memref<1x128xi32, #tpu.memory_space<hbm>>
            tpu.enqueue_dma source(%dma_start3A_346 : memref<1x128xi32, #tpu.memory_space<hbm>>) target(%dma_start3A_344 : memref<1x128xi32, #tpu.memory_space<vmem>>) target_semaphore(%dma_start3A_340 : memref<!tpu.dma_semaphore, #tpu.memory_space<semaphore_mem>>)
            "tpu.trace_stop"() : () -> ()
          } else {
          }
          %and3A_236 = arith.constant true
          %and3A_237 = arith.andi %and3A_232, %and3A_236 : i1
          %add3A_238 = arith.constant 1 : i32
          %add3A_239 = arith.addi %while3A_169, %add3A_238 : i32
          %select_n3A_240 = arith.select %and3A_237, %add3A_239, %while3A_169 : i32
          %ne3A_241 = arith.cmpi ne, %add3A_179, %add3A_189 : i32
          %or3A_242 = arith.constant false
          %or3A_243 = arith.ori %or3A_242, %ne3A_241 : i1
          %or3A_244 = arith.constant false
          %or3A_245 = arith.ori %or3A_243, %or3A_244 : i1
          %or3A_246 = arith.ori %or3A_245, %eq3A_175 : i1
          %convert_element_type3A_247 = arith.extui %or3A_246 : i1 to i32
          %cond3A_248 = arith.constant 0 : i32
          %cond3A_249 = arith.cmpi ne, %convert_element_type3A_247, %cond3A_248 : i32
          scf.if %cond3A_249 {
            "tpu.trace_start"() <{level = 10 : i32, message = "ep_wait_in"}> : () -> ()
            %mul3A_329 = arith.constant 128 : i32
            %mul3A_330 = arith.muli %mul3A_329, %add3A_179 : i32
            %rem3A_331 = arith.constant 2 : i32
            %rem3A_332 = arith.remui %while3A_168, %rem3A_331 : i32
            %dma_wait3A = arith.constant 0 : i32
            %dma_wait3A_333 = arith.constant 0 : i32
            %dma_wait3A_334 = tpu.memref_slice %run_scoped3A[%rem3A_332, %dma_wait3A, %dma_wait3A_333] : memref<2x128x128xi32, #tpu.memory_space<vmem>> -> memref<1x128x128xi32, #tpu.memory_space<vmem>>
            %dma_wait3A_335 = tpu.memref_squeeze %dma_wait3A_334 : memref<1x128x128xi32, #tpu.memory_space<vmem>> -> memref<128x128xi32, #tpu.memory_space<vmem>>
            %dma_wait3A_336 = arith.constant 0 : i32
            %dma_wait3A_337 = tpu.memref_slice %arg2[%mul3A_330, %dma_wait3A_336] : memref<2048x128xi32, #tpu.memory_space<hbm>> -> memref<128x128xi32, #tpu.memory_space<hbm>>
            %dma_wait3A_338 = tpu.memref_slice %run_scoped3A_17[%rem3A_332] : memref<2x!tpu.dma_semaphore, #tpu.memory_space<semaphore_mem>> -> memref<1x!tpu.dma_semaphore, #tpu.memory_space<semaphore_mem>>
            %dma_wait3A_339 = tpu.memref_squeeze %dma_wait3A_338 : memref<1x!tpu.dma_semaphore, #tpu.memory_space<semaphore_mem>> -> memref<!tpu.dma_semaphore, #tpu.memory_space<semaphore_mem>>
            %dma_wait3A_340 = arith.constant 0 : i32
            %dma_wait3A_341 = arith.constant 0 : i32
            %dma_wait3A_342 = tpu.memref_slice %run_scoped3A[%rem3A_332, %dma_wait3A_340, %dma_wait3A_341] : memref<2x128x128xi32, #tpu.memory_space<vmem>> -> memref<1x128x128xi32, #tpu.memory_space<vmem>>
            %dma_wait3A_343 = tpu.memref_squeeze %dma_wait3A_342 : memref<1x128x128xi32, #tpu.memory_space<vmem>> -> memref<128x128xi32, #tpu.memory_space<vmem>>
            %dma_wait3A_344 = arith.constant 0 : i32
            %dma_wait3A_345 = tpu.memref_slice %arg2[%mul3A_330, %dma_wait3A_344] : memref<2048x128xi32, #tpu.memory_space<hbm>> -> memref<128x128xi32, #tpu.memory_space<hbm>>
            tpu.wait_dma2 semaphore(%dma_wait3A_339 : memref<!tpu.dma_semaphore, #tpu.memory_space<semaphore_mem>>) src(%dma_wait3A_345 : memref<128x128xi32, #tpu.memory_space<hbm>>) dst(%dma_wait3A_343 : memref<128x128xi32, #tpu.memory_space<vmem>>)
            "tpu.trace_stop"() : () -> ()
          } else {
          }
          %ne3A_250 = arith.cmpi ne, %add3A_179, %add3A_189 : i32
          %or3A_251 = arith.constant false
          %or3A_252 = arith.ori %or3A_251, %ne3A_250 : i1
          %or3A_253 = arith.ori %or3A_252, %eq3A_175 : i1
          %convert_element_type3A_254 = arith.extui %or3A_253 : i1 to i32
          %cond3A_255 = arith.constant 0 : i32
          %cond3A_256 = arith.cmpi ne, %convert_element_type3A_254, %cond3A_255 : i32
          scf.if %cond3A_256 {
            "tpu.trace_start"() <{level = 10 : i32, message = "ep_wait_in"}> : () -> ()
            %mul3A_329 = arith.constant 128 : i32
            %mul3A_330 = arith.muli %mul3A_329, %add3A_179 : i32
            %rem3A_331 = arith.constant 2 : i32
            %rem3A_332 = arith.remui %while3A_170, %rem3A_331 : i32
            %dma_wait3A = arith.constant 0 : i32
            %dma_wait3A_333 = arith.constant 0 : i32
            %dma_wait3A_334 = tpu.memref_slice %run_scoped3A_18[%rem3A_332, %dma_wait3A, %dma_wait3A_333] : memref<2x1x128xi32, #tpu.memory_space<vmem>> -> memref<1x1x128xi32, #tpu.memory_space<vmem>>
            %dma_wait3A_335 = tpu.memref_squeeze %dma_wait3A_334 : memref<1x1x128xi32, #tpu.memory_space<vmem>> -> memref<1x128xi32, #tpu.memory_space<vmem>>
            %dma_wait3A_336 = arith.constant 0 : i32
            %dma_wait3A_337 = tpu.memref_slice %arg3[%dma_wait3A_336, %mul3A_330] : memref<1x2048xi32, #tpu.memory_space<hbm>> -> memref<1x128xi32, #tpu.memory_space<hbm>>
            %dma_wait3A_338 = tpu.memref_slice %run_scoped3A_19[%rem3A_332] : memref<2x!tpu.dma_semaphore, #tpu.memory_space<semaphore_mem>> -> memref<1x!tpu.dma_semaphore, #tpu.memory_space<semaphore_mem>>
            %dma_wait3A_339 = tpu.memref_squeeze %dma_wait3A_338 : memref<1x!tpu.dma_semaphore, #tpu.memory_space<semaphore_mem>> -> memref<!tpu.dma_semaphore, #tpu.memory_space<semaphore_mem>>
            %dma_wait3A_340 = arith.constant 0 : i32
            %dma_wait3A_341 = arith.constant 0 : i32
            %dma_wait3A_342 = tpu.memref_slice %run_scoped3A_18[%rem3A_332, %dma_wait3A_340, %dma_wait3A_341] : memref<2x1x128xi32, #tpu.memory_space<vmem>> -> memref<1x1x128xi32, #tpu.memory_space<vmem>>
            %dma_wait3A_343 = tpu.memref_squeeze %dma_wait3A_342 : memref<1x1x128xi32, #tpu.memory_space<vmem>> -> memref<1x128xi32, #tpu.memory_space<vmem>>
            %dma_wait3A_344 = arith.constant 0 : i32
            %dma_wait3A_345 = tpu.memref_slice %arg3[%dma_wait3A_344, %mul3A_330] : memref<1x2048xi32, #tpu.memory_space<hbm>> -> memref<1x128xi32, #tpu.memory_space<hbm>>
            tpu.wait_dma2 semaphore(%dma_wait3A_339 : memref<!tpu.dma_semaphore, #tpu.memory_space<semaphore_mem>>) src(%dma_wait3A_345 : memref<1x128xi32, #tpu.memory_space<hbm>>) dst(%dma_wait3A_343 : memref<1x128xi32, #tpu.memory_space<vmem>>)
            "tpu.trace_stop"() : () -> ()
          } else {
          }
          %rem3A_257 = arith.constant 2 : i32
          %rem3A_258 = arith.remui %while3A_168, %rem3A_257 : i32
          %rem3A_259 = arith.constant 2 : i32
          %rem3A_260 = arith.remui %while3A_170, %rem3A_259 : i32
          %run_scoped3A_261 = arith.constant 0 : i32
          "tpu.trace_start"() <{level = 10 : i32, message = "ep_run_kernel"}> : () -> ()
          "tpu.region"() ({
            %run_scoped3A_329 = tpu.sem_alloc : memref<!tpu.dma_semaphore, #tpu.memory_space<semaphore_mem>>
            %dma_start3A_330 = arith.constant 0 : i32
            %dma_start3A_331 = arith.constant 0 : i32
            %dma_start3A_332 = tpu.memref_slice %run_scoped3A[%rem3A_258, %dma_start3A_330, %dma_start3A_331] : memref<2x128x128xi32, #tpu.memory_space<vmem>> -> memref<1x128x128xi32, #tpu.memory_space<vmem>>
            %dma_start3A_333 = tpu.memref_squeeze %dma_start3A_332 : memref<1x128x128xi32, #tpu.memory_space<vmem>> -> memref<128x128xi32, #tpu.memory_space<vmem>>
            %dma_start3A_334 = arith.constant 0 : i32
            %dma_start3A_335 = arith.constant 0 : i32
            %dma_start3A_336 = tpu.memref_slice %run_scoped3A_18[%rem3A_260, %dma_start3A_334, %dma_start3A_335] : memref<2x1x128xi32, #tpu.memory_space<vmem>> -> memref<1x1x128xi32, #tpu.memory_space<vmem>>
            %dma_start3A_337 = tpu.memref_squeeze %dma_start3A_336 : memref<1x1x128xi32, #tpu.memory_space<vmem>> -> memref<1x128xi32, #tpu.memory_space<vmem>>
            %dma_start3A_338 = arith.constant 0 : i32
            %dma_start3A_339 = tpu.memref_slice %dma_start3A_337[%run_scoped3A_261, %dma_start3A_338] : memref<1x128xi32, #tpu.memory_space<vmem>> -> memref<1x128xi32, #tpu.memory_space<vmem>>
            %dma_start3A_340 = tpu.memref_squeeze %dma_start3A_339 : memref<1x128xi32, #tpu.memory_space<vmem>> -> memref<128xi32, #tpu.memory_space<vmem>>
            %dma_start3A_341 = arith.constant 0 : i32
            %dma_start3A_342 = arith.constant 0 : i32
            %dma_start3A_343 = tpu.memref_slice %arg4[%dma_start3A_341, %dma_start3A_342] : memref<2176x128xi32, #tpu.memory_space<hbm>> -> memref<2176x128xi32, #tpu.memory_space<hbm>>
            tpu.enqueue_indirect_dma source(%dma_start3A_333 : memref<128x128xi32, #tpu.memory_space<vmem>>) target(%dma_start3A_343 : memref<2176x128xi32, #tpu.memory_space<hbm>>) offsets(%dma_start3A_340 : memref<128xi32, #tpu.memory_space<vmem>>) semaphore(%run_scoped3A_329 : memref<!tpu.dma_semaphore, #tpu.memory_space<semaphore_mem>>)
            %dma_wait3A = arith.constant 0 : i32
            %dma_wait3A_344 = arith.constant 0 : i32
            %dma_wait3A_345 = tpu.memref_slice %run_scoped3A[%rem3A_258, %dma_wait3A, %dma_wait3A_344] : memref<2x128x128xi32, #tpu.memory_space<vmem>> -> memref<1x128x128xi32, #tpu.memory_space<vmem>>
            %dma_wait3A_346 = tpu.memref_squeeze %dma_wait3A_345 : memref<1x128x128xi32, #tpu.memory_space<vmem>> -> memref<128x128xi32, #tpu.memory_space<vmem>>
            %dma_wait3A_347 = arith.constant 0 : i32
            %dma_wait3A_348 = arith.constant 0 : i32
            %dma_wait3A_349 = tpu.memref_slice %run_scoped3A_18[%rem3A_260, %dma_wait3A_347, %dma_wait3A_348] : memref<2x1x128xi32, #tpu.memory_space<vmem>> -> memref<1x1x128xi32, #tpu.memory_space<vmem>>
            %dma_wait3A_350 = tpu.memref_squeeze %dma_wait3A_349 : memref<1x1x128xi32, #tpu.memory_space<vmem>> -> memref<1x128xi32, #tpu.memory_space<vmem>>
            %dma_wait3A_351 = arith.constant 0 : i32
            %dma_wait3A_352 = tpu.memref_slice %dma_wait3A_350[%run_scoped3A_261, %dma_wait3A_351] : memref<1x128xi32, #tpu.memory_space<vmem>> -> memref<1x128xi32, #tpu.memory_space<vmem>>
            %dma_wait3A_353 = tpu.memref_squeeze %dma_wait3A_352 : memref<1x128xi32, #tpu.memory_space<vmem>> -> memref<128xi32, #tpu.memory_space<vmem>>
            %dma_wait3A_354 = arith.constant 0 : i32
            %dma_wait3A_355 = arith.constant 0 : i32
            %dma_wait3A_356 = tpu.memref_slice %arg4[%dma_wait3A_354, %dma_wait3A_355] : memref<2176x128xi32, #tpu.memory_space<hbm>> -> memref<2176x128xi32, #tpu.memory_space<hbm>>
            tpu.wait_indirect_dma semaphore(%run_scoped3A_329 : memref<!tpu.dma_semaphore, #tpu.memory_space<semaphore_mem>>) src(%dma_wait3A_346 : memref<128x128xi32, #tpu.memory_space<vmem>>) dst(%dma_wait3A_356 : memref<2176x128xi32, #tpu.memory_space<hbm>>)
            tpu.yield
          }) : () -> ()
          "tpu.trace_stop"() : () -> ()
          %ne3A_262 = arith.cmpi ne, %add3A_179, %add3A_197 : i32
          %or3A_263 = arith.constant false
          %or3A_264 = arith.ori %or3A_263, %ne3A_262 : i1
          %or3A_265 = arith.constant false
          %or3A_266 = arith.ori %or3A_264, %or3A_265 : i1
          %or3A_267 = arith.ori %or3A_266, %eq3A_178 : i1
          %convert_element_type3A_268 = arith.extui %or3A_267 : i1 to i32
          %cond3A_269 = arith.constant 0 : i32
          %cond3A_270 = arith.cmpi ne, %convert_element_type3A_268, %cond3A_269 : i32
          scf.if %cond3A_270 {
          } else {
          }
          %and3A_271 = arith.constant false
          %and3A_272 = arith.andi %or3A_267, %and3A_271 : i1
          %ne3A_273 = arith.cmpi ne, %add3A_179, %add3A_197 : i32
          %or3A_274 = arith.constant false
          %or3A_275 = arith.ori %or3A_274, %ne3A_273 : i1
          %or3A_276 = arith.ori %or3A_275, %eq3A_178 : i1
          %convert_element_type3A_277 = arith.extui %or3A_276 : i1 to i32
          %cond3A_278 = arith.constant 0 : i32
          %cond3A_279 = arith.cmpi ne, %convert_element_type3A_277, %cond3A_278 : i32
          scf.if %cond3A_279 {
          } else {
          }
          %and3A_280 = arith.constant false
          %and3A_281 = arith.andi %or3A_276, %and3A_280 : i1
          %ne3A_282 = arith.cmpi ne, %add3A_179, %add3A_189 : i32
          %or3A_283 = arith.constant false
          %or3A_284 = arith.ori %or3A_283, %ne3A_282 : i1
          %or3A_285 = arith.constant false
          %or3A_286 = arith.ori %or3A_284, %or3A_285 : i1
          %not3A_287 = arith.constant true
          %not3A_288 = arith.xori %eq3A_175, %not3A_287 : i1
          %and3A_289 = arith.andi %or3A_286, %not3A_288 : i1
          %convert_element_type3A_290 = arith.extui %and3A_289 : i1 to i32
          %cond3A_291 = arith.constant 0 : i32
          %cond3A_292 = arith.cmpi ne, %convert_element_type3A_290, %cond3A_291 : i32
          scf.if %cond3A_292 {
          } else {
          }
          %and3A_293 = arith.constant false
          %and3A_294 = arith.andi %and3A_289, %and3A_293 : i1
          %ne3A_295 = arith.cmpi ne, %add3A_179, %add3A_189 : i32
          %or3A_296 = arith.constant false
          %or3A_297 = arith.ori %or3A_296, %ne3A_295 : i1
          %not3A_298 = arith.constant true
          %not3A_299 = arith.xori %eq3A_175, %not3A_298 : i1
          %and3A_300 = arith.andi %or3A_297, %not3A_299 : i1
          %convert_element_type3A_301 = arith.extui %and3A_300 : i1 to i32
          %cond3A_302 = arith.constant 0 : i32
          %cond3A_303 = arith.cmpi ne, %convert_element_type3A_301, %cond3A_302 : i32
          scf.if %cond3A_303 {
          } else {
          }
          %and3A_304 = arith.constant false
          %and3A_305 = arith.andi %and3A_300, %and3A_304 : i1
          %ne3A_306 = arith.cmpi ne, %add3A_179, %add3A_197 : i32
          %or3A_307 = arith.constant false
          %or3A_308 = arith.ori %or3A_307, %ne3A_306 : i1
          %or3A_309 = arith.constant false
          %or3A_310 = arith.ori %or3A_308, %or3A_309 : i1
          %or3A_311 = arith.ori %or3A_310, %eq3A_178 : i1
          %add3A_312 = arith.constant 1 : i32
          %add3A_313 = arith.addi %while3A_168, %add3A_312 : i32
          %select_n3A_314 = arith.select %or3A_311, %add3A_313, %while3A_168 : i32
          %ne3A_315 = arith.cmpi ne, %add3A_179, %add3A_197 : i32
          %or3A_316 = arith.constant false
          %or3A_317 = arith.ori %or3A_316, %ne3A_315 : i1
          %or3A_318 = arith.ori %or3A_317, %eq3A_178 : i1
          %add3A_319 = arith.constant 1 : i32
          %add3A_320 = arith.addi %while3A_170, %add3A_319 : i32
          %select_n3A_321 = arith.select %or3A_318, %add3A_320, %while3A_170 : i32
          %add3A_322 = arith.constant 1 : i32
          %add3A_323 = arith.addi %while3A_171, %add3A_322 : i32
          %select_n3A_324 = arith.constant true
          %select_n3A_325 = arith.select %select_n3A_324, %add3A_323, %while3A_171 : i32
          %eq3A_326 = arith.cmpi eq, %select_n3A_325, %select_n3A : i32
          %select_n3A_327 = arith.constant 0 : i32
          %select_n3A_328 = arith.select %eq3A_326, %select_n3A_327, %select_n3A_325 : i32
          scf.yield %select_n3A_221, %select_n3A_314, %select_n3A_240, %select_n3A_321, %select_n3A_328 : i32, i32, i32, i32, i32
        }
        %while3A_113 = arith.constant 1 : i32
        %while3A_114:5 = scf.for %while3A_166 = %while3A_110 to %while3A_106 step %while3A_113 iter_args(%while3A_167 = %while3A_112#0, %while3A_168 = %while3A_112#1, %while3A_169 = %while3A_112#2, %while3A_170 = %while3A_112#3, %while3A_171 = %while3A_112#4) -> (i32, i32, i32, i32, i32)  : i32 {
          %mul3A_172 = arith.constant 1 : i32
          %mul3A_173 = arith.muli %mul3A_172, %select_n3A : i32
          %eq3A_174 = arith.constant 0 : i32
          %eq3A_175 = arith.cmpi eq, %while3A_166, %eq3A_174 : i32
          %sub3A_176 = arith.constant 1 : i32
          %sub3A_177 = arith.subi %mul3A_173, %sub3A_176 : i32
          %eq3A_178 = arith.cmpi eq, %while3A_166, %sub3A_177 : i32
          %add3A_179 = arith.addi %while3A_171, %select_n3A_14 : i32
          %sub3A_180 = arith.constant 1 : i32
          %sub3A_181 = arith.subi %while3A_171, %sub3A_180 : i32
          %select_n3A_182 = arith.constant true
          %select_n3A_183 = arith.select %select_n3A_182, %sub3A_181, %while3A_171 : i32
          %eq3A_184 = arith.constant -1 : i32
          %eq3A_185 = arith.cmpi eq, %select_n3A_183, %eq3A_184 : i32
          %sub3A_186 = arith.constant 1 : i32
          %sub3A_187 = arith.subi %select_n3A, %sub3A_186 : i32
          %select_n3A_188 = arith.select %eq3A_185, %sub3A_187, %select_n3A_183 : i32
          %add3A_189 = arith.addi %select_n3A_188, %select_n3A_14 : i32
          %add3A_190 = arith.constant 1 : i32
          %add3A_191 = arith.addi %while3A_171, %add3A_190 : i32
          %select_n3A_192 = arith.constant true
          %select_n3A_193 = arith.select %select_n3A_192, %add3A_191, %while3A_171 : i32
          %eq3A_194 = arith.cmpi eq, %select_n3A_193, %select_n3A : i32
          %select_n3A_195 = arith.constant 0 : i32
          %select_n3A_196 = arith.select %eq3A_194, %select_n3A_195, %select_n3A_193 : i32
          %add3A_197 = arith.addi %select_n3A_196, %select_n3A_14 : i32
          %add3A_198 = arith.constant 1 : i32
          %add3A_199 = arith.addi %select_n3A_196, %add3A_198 : i32
          %select_n3A_200 = arith.constant true
          %select_n3A_201 = arith.select %select_n3A_200, %add3A_199, %select_n3A_196 : i32
          %eq3A_202 = arith.cmpi eq, %select_n3A_201, %select_n3A : i32
          %select_n3A_203 = arith.constant 0 : i32
          %select_n3A_204 = arith.select %eq3A_202, %select_n3A_203, %select_n3A_201 : i32
          %add3A_205 = arith.addi %select_n3A_204, %select_n3A_14 : i32
          %ne3A = arith.cmpi ne, %add3A_179, %add3A_197 : i32
          %or3A = arith.constant false
          %or3A_206 = arith.ori %or3A, %ne3A : i1
          %or3A_207 = arith.constant false
          %or3A_208 = arith.ori %or3A_206, %or3A_207 : i1
          %sub3A_209 = arith.constant 2 : i32
          %sub3A_210 = arith.subi %mul3A_173, %sub3A_209 : i32
          %add3A_211 = arith.constant 1 : i32
          %add3A_212 = arith.addi %sub3A_210, %add3A_211 : i32
          %ge3A = arith.cmpi sge, %while3A_166, %add3A_212 : i32
          %not3A = arith.constant true
          %not3A_213 = arith.xori %ge3A, %not3A : i1
          %and3A = arith.andi %or3A_208, %not3A_213 : i1
          %convert_element_type3A_214 = arith.extui %and3A : i1 to i32
          %cond3A_215 = arith.constant 0 : i32
          %cond3A_216 = arith.cmpi ne, %convert_element_type3A_214, %cond3A_215 : i32
          scf.if %cond3A_216 {
            "tpu.trace_start"() <{level = 10 : i32, message = "ep_copy_in"}> : () -> ()
            %rem3A_329 = arith.constant 2 : i32
            %rem3A_330 = arith.remui %while3A_167, %rem3A_329 : i32
            %mul3A_331 = arith.constant 128 : i32
            %mul3A_332 = arith.muli %mul3A_331, %add3A_197 : i32
            %dma_start3A_333 = arith.constant 0 : i32
            %dma_start3A_334 = arith.constant 0 : i32
            %dma_start3A_335 = tpu.memref_slice %run_scoped3A[%rem3A_330, %dma_start3A_333, %dma_start3A_334] : memref<2x128x128xi32, #tpu.memory_space<vmem>> -> memref<1x128x128xi32, #tpu.memory_space<vmem>>
            %dma_start3A_336 = tpu.memref_squeeze %dma_start3A_335 : memref<1x128x128xi32, #tpu.memory_space<vmem>> -> memref<128x128xi32, #tpu.memory_space<vmem>>
            %dma_start3A_337 = arith.constant 0 : i32
            %dma_start3A_338 = tpu.memref_slice %arg2[%mul3A_332, %dma_start3A_337] : memref<2048x128xi32, #tpu.memory_space<hbm>> -> memref<128x128xi32, #tpu.memory_space<hbm>>
            %dma_start3A_339 = tpu.memref_slice %run_scoped3A_17[%rem3A_330] : memref<2x!tpu.dma_semaphore, #tpu.memory_space<semaphore_mem>> -> memref<1x!tpu.dma_semaphore, #tpu.memory_space<semaphore_mem>>
            %dma_start3A_340 = tpu.memref_squeeze %dma_start3A_339 : memref<1x!tpu.dma_semaphore, #tpu.memory_space<semaphore_mem>> -> memref<!tpu.dma_semaphore, #tpu.memory_space<semaphore_mem>>
            %dma_start3A_341 = arith.constant 0 : i32
            %dma_start3A_342 = arith.constant 0 : i32
            %dma_start3A_343 = tpu.memref_slice %run_scoped3A[%rem3A_330, %dma_start3A_341, %dma_start3A_342] : memref<2x128x128xi32, #tpu.memory_space<vmem>> -> memref<1x128x128xi32, #tpu.memory_space<vmem>>
            %dma_start3A_344 = tpu.memref_squeeze %dma_start3A_343 : memref<1x128x128xi32, #tpu.memory_space<vmem>> -> memref<128x128xi32, #tpu.memory_space<vmem>>
            %dma_start3A_345 = arith.constant 0 : i32
            %dma_start3A_346 = tpu.memref_slice %arg2[%mul3A_332, %dma_start3A_345] : memref<2048x128xi32, #tpu.memory_space<hbm>> -> memref<128x128xi32, #tpu.memory_space<hbm>>
            tpu.enqueue_dma source(%dma_start3A_346 : memref<128x128xi32, #tpu.memory_space<hbm>>) target(%dma_start3A_344 : memref<128x128xi32, #tpu.memory_space<vmem>>) target_semaphore(%dma_start3A_340 : memref<!tpu.dma_semaphore, #tpu.memory_space<semaphore_mem>>)
            "tpu.trace_stop"() : () -> ()
          } else {
          }
          %and3A_217 = arith.constant true
          %and3A_218 = arith.andi %and3A, %and3A_217 : i1
          %add3A_219 = arith.constant 1 : i32
          %add3A_220 = arith.addi %while3A_167, %add3A_219 : i32
          %select_n3A_221 = arith.select %and3A_218, %add3A_220, %while3A_167 : i32
          %ne3A_222 = arith.cmpi ne, %add3A_179, %add3A_197 : i32
          %or3A_223 = arith.constant false
          %or3A_224 = arith.ori %or3A_223, %ne3A_222 : i1
          %sub3A_225 = arith.constant 2 : i32
          %sub3A_226 = arith.subi %mul3A_173, %sub3A_225 : i32
          %add3A_227 = arith.constant 1 : i32
          %add3A_228 = arith.addi %sub3A_226, %add3A_227 : i32
          %ge3A_229 = arith.cmpi sge, %while3A_166, %add3A_228 : i32
          %not3A_230 = arith.constant true
          %not3A_231 = arith.xori %ge3A_229, %not3A_230 : i1
          %and3A_232 = arith.andi %or3A_224, %not3A_231 : i1
          %convert_element_type3A_233 = arith.extui %and3A_232 : i1 to i32
          %cond3A_234 = arith.constant 0 : i32
          %cond3A_235 = arith.cmpi ne, %convert_element_type3A_233, %cond3A_234 : i32
          scf.if %cond3A_235 {
            "tpu.trace_start"() <{level = 10 : i32, message = "ep_copy_in"}> : () -> ()
            %rem3A_329 = arith.constant 2 : i32
            %rem3A_330 = arith.remui %while3A_169, %rem3A_329 : i32
            %mul3A_331 = arith.constant 128 : i32
            %mul3A_332 = arith.muli %mul3A_331, %add3A_197 : i32
            %dma_start3A_333 = arith.constant 0 : i32
            %dma_start3A_334 = arith.constant 0 : i32
            %dma_start3A_335 = tpu.memref_slice %run_scoped3A_18[%rem3A_330, %dma_start3A_333, %dma_start3A_334] : memref<2x1x128xi32, #tpu.memory_space<vmem>> -> memref<1x1x128xi32, #tpu.memory_space<vmem>>
            %dma_start3A_336 = tpu.memref_squeeze %dma_start3A_335 : memref<1x1x128xi32, #tpu.memory_space<vmem>> -> memref<1x128xi32, #tpu.memory_space<vmem>>
            %dma_start3A_337 = arith.constant 0 : i32
            %dma_start3A_338 = tpu.memref_slice %arg3[%dma_start3A_337, %mul3A_332] : memref<1x2048xi32, #tpu.memory_space<hbm>> -> memref<1x128xi32, #tpu.memory_space<hbm>>
            %dma_start3A_339 = tpu.memref_slice %run_scoped3A_19[%rem3A_330] : memref<2x!tpu.dma_semaphore, #tpu.memory_space<semaphore_mem>> -> memref<1x!tpu.dma_semaphore, #tpu.memory_space<semaphore_mem>>
            %dma_start3A_340 = tpu.memref_squeeze %dma_start3A_339 : memref<1x!tpu.dma_semaphore, #tpu.memory_space<semaphore_mem>> -> memref<!tpu.dma_semaphore, #tpu.memory_space<semaphore_mem>>
            %dma_start3A_341 = arith.constant 0 : i32
            %dma_start3A_342 = arith.constant 0 : i32
            %dma_start3A_343 = tpu.memref_slice %run_scoped3A_18[%rem3A_330, %dma_start3A_341, %dma_start3A_342] : memref<2x1x128xi32, #tpu.memory_space<vmem>> -> memref<1x1x128xi32, #tpu.memory_space<vmem>>
            %dma_start3A_344 = tpu.memref_squeeze %dma_start3A_343 : memref<1x1x128xi32, #tpu.memory_space<vmem>> -> memref<1x128xi32, #tpu.memory_space<vmem>>
            %dma_start3A_345 = arith.constant 0 : i32
            %dma_start3A_346 = tpu.memref_slice %arg3[%dma_start3A_345, %mul3A_332] : memref<1x2048xi32, #tpu.memory_space<hbm>> -> memref<1x128xi32, #tpu.memory_space<hbm>>
            tpu.enqueue_dma source(%dma_start3A_346 : memref<1x128xi32, #tpu.memory_space<hbm>>) target(%dma_start3A_344 : memref<1x128xi32, #tpu.memory_space<vmem>>) target_semaphore(%dma_start3A_340 : memref<!tpu.dma_semaphore, #tpu.memory_space<semaphore_mem>>)
            "tpu.trace_stop"() : () -> ()
          } else {
          }
          %and3A_236 = arith.constant true
          %and3A_237 = arith.andi %and3A_232, %and3A_236 : i1
          %add3A_238 = arith.constant 1 : i32
          %add3A_239 = arith.addi %while3A_169, %add3A_238 : i32
          %select_n3A_240 = arith.select %and3A_237, %add3A_239, %while3A_169 : i32
          %ne3A_241 = arith.cmpi ne, %add3A_179, %add3A_189 : i32
          %or3A_242 = arith.constant false
          %or3A_243 = arith.ori %or3A_242, %ne3A_241 : i1
          %or3A_244 = arith.constant false
          %or3A_245 = arith.ori %or3A_243, %or3A_244 : i1
          %or3A_246 = arith.ori %or3A_245, %eq3A_175 : i1
          %convert_element_type3A_247 = arith.extui %or3A_246 : i1 to i32
          %cond3A_248 = arith.constant 0 : i32
          %cond3A_249 = arith.cmpi ne, %convert_element_type3A_247, %cond3A_248 : i32
          scf.if %cond3A_249 {
            "tpu.trace_start"() <{level = 10 : i32, message = "ep_wait_in"}> : () -> ()
            %mul3A_329 = arith.constant 128 : i32
            %mul3A_330 = arith.muli %mul3A_329, %add3A_179 : i32
            %rem3A_331 = arith.constant 2 : i32
            %rem3A_332 = arith.remui %while3A_168, %rem3A_331 : i32
            %dma_wait3A = arith.constant 0 : i32
            %dma_wait3A_333 = arith.constant 0 : i32
            %dma_wait3A_334 = tpu.memref_slice %run_scoped3A[%rem3A_332, %dma_wait3A, %dma_wait3A_333] : memref<2x128x128xi32, #tpu.memory_space<vmem>> -> memref<1x128x128xi32, #tpu.memory_space<vmem>>
            %dma_wait3A_335 = tpu.memref_squeeze %dma_wait3A_334 : memref<1x128x128xi32, #tpu.memory_space<vmem>> -> memref<128x128xi32, #tpu.memory_space<vmem>>
            %dma_wait3A_336 = arith.constant 0 : i32
            %dma_wait3A_337 = tpu.memref_slice %arg2[%mul3A_330, %dma_wait3A_336] : memref<2048x128xi32, #tpu.memory_space<hbm>> -> memref<128x128xi32, #tpu.memory_space<hbm>>
            %dma_wait3A_338 = tpu.memref_slice %run_scoped3A_17[%rem3A_332] : memref<2x!tpu.dma_semaphore, #tpu.memory_space<semaphore_mem>> -> memref<1x!tpu.dma_semaphore, #tpu.memory_space<semaphore_mem>>
            %dma_wait3A_339 = tpu.memref_squeeze %dma_wait3A_338 : memref<1x!tpu.dma_semaphore, #tpu.memory_space<semaphore_mem>> -> memref<!tpu.dma_semaphore, #tpu.memory_space<semaphore_mem>>
            %dma_wait3A_340 = arith.constant 0 : i32
            %dma_wait3A_341 = arith.constant 0 : i32
            %dma_wait3A_342 = tpu.memref_slice %run_scoped3A[%rem3A_332, %dma_wait3A_340, %dma_wait3A_341] : memref<2x128x128xi32, #tpu.memory_space<vmem>> -> memref<1x128x128xi32, #tpu.memory_space<vmem>>
            %dma_wait3A_343 = tpu.memref_squeeze %dma_wait3A_342 : memref<1x128x128xi32, #tpu.memory_space<vmem>> -> memref<128x128xi32, #tpu.memory_space<vmem>>
            %dma_wait3A_344 = arith.constant 0 : i32
            %dma_wait3A_345 = tpu.memref_slice %arg2[%mul3A_330, %dma_wait3A_344] : memref<2048x128xi32, #tpu.memory_space<hbm>> -> memref<128x128xi32, #tpu.memory_space<hbm>>
            tpu.wait_dma2 semaphore(%dma_wait3A_339 : memref<!tpu.dma_semaphore, #tpu.memory_space<semaphore_mem>>) src(%dma_wait3A_345 : memref<128x128xi32, #tpu.memory_space<hbm>>) dst(%dma_wait3A_343 : memref<128x128xi32, #tpu.memory_space<vmem>>)
            "tpu.trace_stop"() : () -> ()
          } else {
          }
          %ne3A_250 = arith.cmpi ne, %add3A_179, %add3A_189 : i32
          %or3A_251 = arith.constant false
          %or3A_252 = arith.ori %or3A_251, %ne3A_250 : i1
          %or3A_253 = arith.ori %or3A_252, %eq3A_175 : i1
          %convert_element_type3A_254 = arith.extui %or3A_253 : i1 to i32
          %cond3A_255 = arith.constant 0 : i32
          %cond3A_256 = arith.cmpi ne, %convert_element_type3A_254, %cond3A_255 : i32
          scf.if %cond3A_256 {
            "tpu.trace_start"() <{level = 10 : i32, message = "ep_wait_in"}> : () -> ()
            %mul3A_329 = arith.constant 128 : i32
            %mul3A_330 = arith.muli %mul3A_329, %add3A_179 : i32
            %rem3A_331 = arith.constant 2 : i32
            %rem3A_332 = arith.remui %while3A_170, %rem3A_331 : i32
            %dma_wait3A = arith.constant 0 : i32
            %dma_wait3A_333 = arith.constant 0 : i32
            %dma_wait3A_334 = tpu.memref_slice %run_scoped3A_18[%rem3A_332, %dma_wait3A, %dma_wait3A_333] : memref<2x1x128xi32, #tpu.memory_space<vmem>> -> memref<1x1x128xi32, #tpu.memory_space<vmem>>
            %dma_wait3A_335 = tpu.memref_squeeze %dma_wait3A_334 : memref<1x1x128xi32, #tpu.memory_space<vmem>> -> memref<1x128xi32, #tpu.memory_space<vmem>>
            %dma_wait3A_336 = arith.constant 0 : i32
            %dma_wait3A_337 = tpu.memref_slice %arg3[%dma_wait3A_336, %mul3A_330] : memref<1x2048xi32, #tpu.memory_space<hbm>> -> memref<1x128xi32, #tpu.memory_space<hbm>>
            %dma_wait3A_338 = tpu.memref_slice %run_scoped3A_19[%rem3A_332] : memref<2x!tpu.dma_semaphore, #tpu.memory_space<semaphore_mem>> -> memref<1x!tpu.dma_semaphore, #tpu.memory_space<semaphore_mem>>
            %dma_wait3A_339 = tpu.memref_squeeze %dma_wait3A_338 : memref<1x!tpu.dma_semaphore, #tpu.memory_space<semaphore_mem>> -> memref<!tpu.dma_semaphore, #tpu.memory_space<semaphore_mem>>
            %dma_wait3A_340 = arith.constant 0 : i32
            %dma_wait3A_341 = arith.constant 0 : i32
            %dma_wait3A_342 = tpu.memref_slice %run_scoped3A_18[%rem3A_332, %dma_wait3A_340, %dma_wait3A_341] : memref<2x1x128xi32, #tpu.memory_space<vmem>> -> memref<1x1x128xi32, #tpu.memory_space<vmem>>
            %dma_wait3A_343 = tpu.memref_squeeze %dma_wait3A_342 : memref<1x1x128xi32, #tpu.memory_space<vmem>> -> memref<1x128xi32, #tpu.memory_space<vmem>>
            %dma_wait3A_344 = arith.constant 0 : i32
            %dma_wait3A_345 = tpu.memref_slice %arg3[%dma_wait3A_344, %mul3A_330] : memref<1x2048xi32, #tpu.memory_space<hbm>> -> memref<1x128xi32, #tpu.memory_space<hbm>>
            tpu.wait_dma2 semaphore(%dma_wait3A_339 : memref<!tpu.dma_semaphore, #tpu.memory_space<semaphore_mem>>) src(%dma_wait3A_345 : memref<1x128xi32, #tpu.memory_space<hbm>>) dst(%dma_wait3A_343 : memref<1x128xi32, #tpu.memory_space<vmem>>)
            "tpu.trace_stop"() : () -> ()
          } else {
          }
          %rem3A_257 = arith.constant 2 : i32
          %rem3A_258 = arith.remui %while3A_168, %rem3A_257 : i32
          %rem3A_259 = arith.constant 2 : i32
          %rem3A_260 = arith.remui %while3A_170, %rem3A_259 : i32
          %run_scoped3A_261 = arith.constant 0 : i32
          "tpu.trace_start"() <{level = 10 : i32, message = "ep_run_kernel"}> : () -> ()
          "tpu.region"() ({
            %run_scoped3A_329 = tpu.sem_alloc : memref<!tpu.dma_semaphore, #tpu.memory_space<semaphore_mem>>
            %dma_start3A_330 = arith.constant 0 : i32
            %dma_start3A_331 = arith.constant 0 : i32
            %dma_start3A_332 = tpu.memref_slice %run_scoped3A[%rem3A_258, %dma_start3A_330, %dma_start3A_331] : memref<2x128x128xi32, #tpu.memory_space<vmem>> -> memref<1x128x128xi32, #tpu.memory_space<vmem>>
            %dma_start3A_333 = tpu.memref_squeeze %dma_start3A_332 : memref<1x128x128xi32, #tpu.memory_space<vmem>> -> memref<128x128xi32, #tpu.memory_space<vmem>>
            %dma_start3A_334 = arith.constant 0 : i32
            %dma_start3A_335 = arith.constant 0 : i32
            %dma_start3A_336 = tpu.memref_slice %run_scoped3A_18[%rem3A_260, %dma_start3A_334, %dma_start3A_335] : memref<2x1x128xi32, #tpu.memory_space<vmem>> -> memref<1x1x128xi32, #tpu.memory_space<vmem>>
            %dma_start3A_337 = tpu.memref_squeeze %dma_start3A_336 : memref<1x1x128xi32, #tpu.memory_space<vmem>> -> memref<1x128xi32, #tpu.memory_space<vmem>>
            %dma_start3A_338 = arith.constant 0 : i32
            %dma_start3A_339 = tpu.memref_slice %dma_start3A_337[%run_scoped3A_261, %dma_start3A_338] : memref<1x128xi32, #tpu.memory_space<vmem>> -> memref<1x128xi32, #tpu.memory_space<vmem>>
            %dma_start3A_340 = tpu.memref_squeeze %dma_start3A_339 : memref<1x128xi32, #tpu.memory_space<vmem>> -> memref<128xi32, #tpu.memory_space<vmem>>
            %dma_start3A_341 = arith.constant 0 : i32
            %dma_start3A_342 = arith.constant 0 : i32
            %dma_start3A_343 = tpu.memref_slice %arg4[%dma_start3A_341, %dma_start3A_342] : memref<2176x128xi32, #tpu.memory_space<hbm>> -> memref<2176x128xi32, #tpu.memory_space<hbm>>
            tpu.enqueue_indirect_dma source(%dma_start3A_333 : memref<128x128xi32, #tpu.memory_space<vmem>>) target(%dma_start3A_343 : memref<2176x128xi32, #tpu.memory_space<hbm>>) offsets(%dma_start3A_340 : memref<128xi32, #tpu.memory_space<vmem>>) semaphore(%run_scoped3A_329 : memref<!tpu.dma_semaphore, #tpu.memory_space<semaphore_mem>>)
            %dma_wait3A = arith.constant 0 : i32
            %dma_wait3A_344 = arith.constant 0 : i32
            %dma_wait3A_345 = tpu.memref_slice %run_scoped3A[%rem3A_258, %dma_wait3A, %dma_wait3A_344] : memref<2x128x128xi32, #tpu.memory_space<vmem>> -> memref<1x128x128xi32, #tpu.memory_space<vmem>>
            %dma_wait3A_346 = tpu.memref_squeeze %dma_wait3A_345 : memref<1x128x128xi32, #tpu.memory_space<vmem>> -> memref<128x128xi32, #tpu.memory_space<vmem>>
            %dma_wait3A_347 = arith.constant 0 : i32
            %dma_wait3A_348 = arith.constant 0 : i32
            %dma_wait3A_349 = tpu.memref_slice %run_scoped3A_18[%rem3A_260, %dma_wait3A_347, %dma_wait3A_348] : memref<2x1x128xi32, #tpu.memory_space<vmem>> -> memref<1x1x128xi32, #tpu.memory_space<vmem>>
            %dma_wait3A_350 = tpu.memref_squeeze %dma_wait3A_349 : memref<1x1x128xi32, #tpu.memory_space<vmem>> -> memref<1x128xi32, #tpu.memory_space<vmem>>
            %dma_wait3A_351 = arith.constant 0 : i32
            %dma_wait3A_352 = tpu.memref_slice %dma_wait3A_350[%run_scoped3A_261, %dma_wait3A_351] : memref<1x128xi32, #tpu.memory_space<vmem>> -> memref<1x128xi32, #tpu.memory_space<vmem>>
            %dma_wait3A_353 = tpu.memref_squeeze %dma_wait3A_352 : memref<1x128xi32, #tpu.memory_space<vmem>> -> memref<128xi32, #tpu.memory_space<vmem>>
            %dma_wait3A_354 = arith.constant 0 : i32
            %dma_wait3A_355 = arith.constant 0 : i32
            %dma_wait3A_356 = tpu.memref_slice %arg4[%dma_wait3A_354, %dma_wait3A_355] : memref<2176x128xi32, #tpu.memory_space<hbm>> -> memref<2176x128xi32, #tpu.memory_space<hbm>>
            tpu.wait_indirect_dma semaphore(%run_scoped3A_329 : memref<!tpu.dma_semaphore, #tpu.memory_space<semaphore_mem>>) src(%dma_wait3A_346 : memref<128x128xi32, #tpu.memory_space<vmem>>) dst(%dma_wait3A_356 : memref<2176x128xi32, #tpu.memory_space<hbm>>)
            tpu.yield
          }) : () -> ()
          "tpu.trace_stop"() : () -> ()
          %ne3A_262 = arith.cmpi ne, %add3A_179, %add3A_197 : i32
          %or3A_263 = arith.constant false
          %or3A_264 = arith.ori %or3A_263, %ne3A_262 : i1
          %or3A_265 = arith.constant false
          %or3A_266 = arith.ori %or3A_264, %or3A_265 : i1
          %or3A_267 = arith.ori %or3A_266, %eq3A_178 : i1
          %convert_element_type3A_268 = arith.extui %or3A_267 : i1 to i32
          %cond3A_269 = arith.constant 0 : i32
          %cond3A_270 = arith.cmpi ne, %convert_element_type3A_268, %cond3A_269 : i32
          scf.if %cond3A_270 {
          } else {
          }
          %and3A_271 = arith.constant false
          %and3A_272 = arith.andi %or3A_267, %and3A_271 : i1
          %ne3A_273 = arith.cmpi ne, %add3A_179, %add3A_197 : i32
          %or3A_274 = arith.constant false
          %or3A_275 = arith.ori %or3A_274, %ne3A_273 : i1
          %or3A_276 = arith.ori %or3A_275, %eq3A_178 : i1
          %convert_element_type3A_277 = arith.extui %or3A_276 : i1 to i32
          %cond3A_278 = arith.constant 0 : i32
          %cond3A_279 = arith.cmpi ne, %convert_element_type3A_277, %cond3A_278 : i32
          scf.if %cond3A_279 {
          } else {
          }
          %and3A_280 = arith.constant false
          %and3A_281 = arith.andi %or3A_276, %and3A_280 : i1
          %ne3A_282 = arith.cmpi ne, %add3A_179, %add3A_189 : i32
          %or3A_283 = arith.constant false
          %or3A_284 = arith.ori %or3A_283, %ne3A_282 : i1
          %or3A_285 = arith.constant false
          %or3A_286 = arith.ori %or3A_284, %or3A_285 : i1
          %not3A_287 = arith.constant true
          %not3A_288 = arith.xori %eq3A_175, %not3A_287 : i1
          %and3A_289 = arith.andi %or3A_286, %not3A_288 : i1
          %convert_element_type3A_290 = arith.extui %and3A_289 : i1 to i32
          %cond3A_291 = arith.constant 0 : i32
          %cond3A_292 = arith.cmpi ne, %convert_element_type3A_290, %cond3A_291 : i32
          scf.if %cond3A_292 {
          } else {
          }
          %and3A_293 = arith.constant false
          %and3A_294 = arith.andi %and3A_289, %and3A_293 : i1
          %ne3A_295 = arith.cmpi ne, %add3A_179, %add3A_189 : i32
          %or3A_296 = arith.constant false
          %or3A_297 = arith.ori %or3A_296, %ne3A_295 : i1
          %not3A_298 = arith.constant true
          %not3A_299 = arith.xori %eq3A_175, %not3A_298 : i1
          %and3A_300 = arith.andi %or3A_297, %not3A_299 : i1
          %convert_element_type3A_301 = arith.extui %and3A_300 : i1 to i32
          %cond3A_302 = arith.constant 0 : i32
          %cond3A_303 = arith.cmpi ne, %convert_element_type3A_301, %cond3A_302 : i32
          scf.if %cond3A_303 {
          } else {
          }
          %and3A_304 = arith.constant false
          %and3A_305 = arith.andi %and3A_300, %and3A_304 : i1
          %ne3A_306 = arith.cmpi ne, %add3A_179, %add3A_197 : i32
          %or3A_307 = arith.constant false
          %or3A_308 = arith.ori %or3A_307, %ne3A_306 : i1
          %or3A_309 = arith.constant false
          %or3A_310 = arith.ori %or3A_308, %or3A_309 : i1
          %or3A_311 = arith.ori %or3A_310, %eq3A_178 : i1
          %add3A_312 = arith.constant 1 : i32
          %add3A_313 = arith.addi %while3A_168, %add3A_312 : i32
          %select_n3A_314 = arith.select %or3A_311, %add3A_313, %while3A_168 : i32
          %ne3A_315 = arith.cmpi ne, %add3A_179, %add3A_197 : i32
          %or3A_316 = arith.constant false
          %or3A_317 = arith.ori %or3A_316, %ne3A_315 : i1
          %or3A_318 = arith.ori %or3A_317, %eq3A_178 : i1
          %add3A_319 = arith.constant 1 : i32
          %add3A_320 = arith.addi %while3A_170, %add3A_319 : i32
          %select_n3A_321 = arith.select %or3A_318, %add3A_320, %while3A_170 : i32
          %add3A_322 = arith.constant 1 : i32
          %add3A_323 = arith.addi %while3A_171, %add3A_322 : i32
          %select_n3A_324 = arith.constant true
          %select_n3A_325 = arith.select %select_n3A_324, %add3A_323, %while3A_171 : i32
          %eq3A_326 = arith.cmpi eq, %select_n3A_325, %select_n3A : i32
          %select_n3A_327 = arith.constant 0 : i32
          %select_n3A_328 = arith.select %eq3A_326, %select_n3A_327, %select_n3A_325 : i32
          scf.yield %select_n3A_221, %select_n3A_314, %select_n3A_240, %select_n3A_321, %select_n3A_328 : i32, i32, i32, i32, i32
        }
        %sub3A_115 = arith.constant 1 : i32
        %sub3A_116 = arith.subi %while3A_114#4, %sub3A_115 : i32
        %select_n3A_117 = arith.constant true
        %select_n3A_118 = arith.select %select_n3A_117, %sub3A_116, %while3A_114#4 : i32
        %eq3A_119 = arith.constant -1 : i32
        %eq3A_120 = arith.cmpi eq, %select_n3A_118, %eq3A_119 : i32
        %sub3A_121 = arith.constant 1 : i32
        %sub3A_122 = arith.subi %select_n3A, %sub3A_121 : i32
        %select_n3A_123 = arith.select %eq3A_120, %sub3A_122, %select_n3A_118 : i32
        %sub3A_124 = arith.constant 1 : i32
        %sub3A_125 = arith.subi %mul3A_16, %sub3A_124 : i32
        %mul3A_126 = arith.constant 1 : i32
        %mul3A_127 = arith.muli %mul3A_126, %select_n3A : i32
        %eq3A_128 = arith.constant 0 : i32
        %eq3A_129 = arith.cmpi eq, %sub3A_125, %eq3A_128 : i32
        %sub3A_130 = arith.constant 1 : i32
        %sub3A_131 = arith.subi %mul3A_127, %sub3A_130 : i32
        %eq3A_132 = arith.cmpi eq, %sub3A_125, %sub3A_131 : i32
        %add3A_133 = arith.addi %select_n3A_123, %select_n3A_14 : i32
        %sub3A_134 = arith.constant 1 : i32
        %sub3A_135 = arith.subi %select_n3A_123, %sub3A_134 : i32
        %select_n3A_136 = arith.constant true
        %select_n3A_137 = arith.select %select_n3A_136, %sub3A_135, %select_n3A_123 : i32
        %eq3A_138 = arith.constant -1 : i32
        %eq3A_139 = arith.cmpi eq, %select_n3A_137, %eq3A_138 : i32
        %sub3A_140 = arith.constant 1 : i32
        %sub3A_141 = arith.subi %select_n3A, %sub3A_140 : i32
        %select_n3A_142 = arith.select %eq3A_139, %sub3A_141, %select_n3A_137 : i32
        %add3A_143 = arith.addi %select_n3A_142, %select_n3A_14 : i32
        %add3A_144 = arith.constant 1 : i32
        %add3A_145 = arith.addi %select_n3A_123, %add3A_144 : i32
        %select_n3A_146 = arith.constant true
        %select_n3A_147 = arith.select %select_n3A_146, %add3A_145, %select_n3A_123 : i32
        %eq3A_148 = arith.cmpi eq, %select_n3A_147, %select_n3A : i32
        %select_n3A_149 = arith.constant 0 : i32
        %select_n3A_150 = arith.select %eq3A_148, %select_n3A_149, %select_n3A_147 : i32
        %add3A_151 = arith.addi %select_n3A_150, %select_n3A_14 : i32
        %add3A_152 = arith.constant 1 : i32
        %add3A_153 = arith.addi %select_n3A_150, %add3A_152 : i32
        %select_n3A_154 = arith.constant true
        %select_n3A_155 = arith.select %select_n3A_154, %add3A_153, %select_n3A_150 : i32
        %eq3A_156 = arith.cmpi eq, %select_n3A_155, %select_n3A : i32
        %select_n3A_157 = arith.constant 0 : i32
        %select_n3A_158 = arith.select %eq3A_156, %select_n3A_157, %select_n3A_155 : i32
        %add3A_159 = arith.addi %select_n3A_158, %select_n3A_14 : i32
        %convert_element_type3A_160 = arith.extui %eq3A_132 : i1 to i32
        %cond3A_161 = arith.constant 0 : i32
        %cond3A_162 = arith.cmpi ne, %convert_element_type3A_160, %cond3A_161 : i32
        scf.if %cond3A_162 {
        } else {
        }
        %convert_element_type3A_163 = arith.extui %eq3A_132 : i1 to i32
        %cond3A_164 = arith.constant 0 : i32
        %cond3A_165 = arith.cmpi ne, %convert_element_type3A_163, %cond3A_164 : i32
        scf.if %cond3A_165 {
        } else {
        }
      } else {
      }
      tpu.yield
    }) : () -> ()
    return
  }
}

module attributes {stable_mosaic.version = 14 : i64} {
  func.func @_router_body(%arg0: memref<2048x1024xf32, #tpu.memory_space<vmem>>, %arg1: memref<64x1024xf32, #tpu.memory_space<vmem>>, %arg2: memref<2048x1xi32, #tpu.memory_space<vmem>>, %arg3: memref<64x1xi32, #tpu.memory_space<vmem>>, %arg4: memref<2048x1024xf32, #tpu.memory_space<vmem>>, %arg5: memref<1x1xf32, #tpu.memory_space<vmem>>) attributes {dimension_semantics = [], scalar_prefetch = 0 : i64, scratch_operands = 0 : i64, tpu.core_type = #tpu.core_type<tc>} {
    %get3A = arith.constant 0 : index
    %get3A_0 = arith.constant 0 : index
    %get3A_1 = vector.load %arg0[%get3A, %get3A_0] : memref<2048x1024xf32, #tpu.memory_space<vmem>>, vector<2048x1024xf32>
    %get3A_2 = arith.constant 0 : index
    %get3A_3 = arith.constant 0 : index
    %get3A_4 = vector.load %arg1[%get3A_2, %get3A_3] : memref<64x1024xf32, #tpu.memory_space<vmem>>, vector<64x1024xf32>
    %dot_general3A = arith.constant dense<0.000000e+00> : vector<2048x64xf32>
    %dot_general3A_5 = tpu.matmul %get3A_1, %get3A_4, %dot_general3A {dimension_numbers = #tpu.dot_dimension_numbers<[1], [1], [0], [0], [0, 0, 1, 0], [], []>, transpose_lhs_hint = false} : vector<2048x1024xf32>, vector<64x1024xf32>, vector<2048x64xf32> -> vector<2048x64xf32>
    %reduce_max3A = arith.constant dense<0xFF800000> : vector<2048xf32>
    %reduce_max3A_6 = vector.multi_reduction <maximumf>, %dot_general3A_5, %reduce_max3A [1] : vector<2048x64xf32> to vector<2048xf32>
    %broadcast_in_dim3A = vector.shape_cast %reduce_max3A_6 : vector<2048xf32> to vector<2048x1xf32>
    %sub3A = vector.broadcast %broadcast_in_dim3A : vector<2048x1xf32> to vector<2048x64xf32>
    %sub3A_7 = arith.subf %dot_general3A_5, %sub3A : vector<2048x64xf32>
    %exp3A = math.exp %sub3A_7 : vector<2048x64xf32>
    %reduce_sum3A = arith.constant dense<0.000000e+00> : vector<2048xf32>
    %reduce_sum3A_8 = vector.multi_reduction <add>, %exp3A, %reduce_sum3A [1] : vector<2048x64xf32> to vector<2048xf32>
    %broadcast_in_dim3A_9 = vector.shape_cast %reduce_sum3A_8 : vector<2048xf32> to vector<2048x1xf32>
    %div3A = vector.broadcast %broadcast_in_dim3A_9 : vector<2048x1xf32> to vector<2048x64xf32>
    %div3A_10 = arith.divf %exp3A, %div3A : vector<2048x64xf32>
    %reduce_max3A_11 = arith.constant dense<0xFF800000> : vector<2048xf32>
    %reduce_max3A_12 = vector.multi_reduction <maximumf>, %div3A_10, %reduce_max3A_11 [1] : vector<2048x64xf32> to vector<2048xf32>
    %iota3A = tpu.iota {dimensions = array<i32: 1>} : vector<2048x64xi32>
    %broadcast_in_dim3A_13 = vector.shape_cast %reduce_max3A_12 : vector<2048xf32> to vector<2048x1xf32>
    %eq3A = vector.broadcast %broadcast_in_dim3A_13 : vector<2048x1xf32> to vector<2048x64xf32>
    %eq3A_14 = arith.cmpf oeq, %div3A_10, %eq3A : vector<2048x64xf32>
    %jit3A = arith.constant 64 : i32
    %broadcast_in_dim3A_15 = vector.broadcast %jit3A : i32 to vector<2048x64xi32>
    %select_n3A = arith.select %eq3A_14, %iota3A, %broadcast_in_dim3A_15 : vector<2048x64xi1>, vector<2048x64xi32>
    %reduce_min3A = arith.constant dense<2147483647> : vector<2048xi32>
    %reduce_min3A_16 = vector.multi_reduction <minsi>, %select_n3A, %reduce_min3A [1] : vector<2048x64xi32> to vector<2048xi32>
    %broadcast_in_dim3A_17 = vector.shape_cast %reduce_min3A_16 : vector<2048xi32> to vector<2048x1xi32>
    %eq3A_18 = vector.broadcast %broadcast_in_dim3A_17 : vector<2048x1xi32> to vector<2048x64xi32>
    %eq3A_19 = arith.cmpi eq, %eq3A_18, %iota3A : vector<2048x64xi32>
    %convert_element_type3A = arith.extui %eq3A_19 : vector<2048x64xi1> to vector<2048x64xi32>
    %convert_element_type3A_20 = arith.sitofp %convert_element_type3A : vector<2048x64xi32> to vector<2048x64xf32>
    %convert_element_type3A_21 = arith.extui %eq3A_19 : vector<2048x64xi1> to vector<2048x64xi32>
    %convert_element_type3A_22 = arith.sitofp %convert_element_type3A_21 : vector<2048x64xi32> to vector<2048x64xf32>
    %convert_element_type3A_23 = arith.truncf %convert_element_type3A_22 : vector<2048x64xf32> to vector<2048x64xbf16>
    %iota3A_24 = tpu.iota {dimensions = array<i32: 0>} : vector<2048x2048xi32>
    %iota3A_25 = tpu.iota {dimensions = array<i32: 1>} : vector<2048x2048xi32>
    %ge3A = arith.cmpi sge, %iota3A_24, %iota3A_25 : vector<2048x2048xi32>
    %convert_element_type3A_26 = arith.extui %ge3A : vector<2048x2048xi1> to vector<2048x2048xi32>
    %convert_element_type3A_27 = arith.sitofp %convert_element_type3A_26 : vector<2048x2048xi32> to vector<2048x2048xf32>
    %convert_element_type3A_28 = arith.truncf %convert_element_type3A_27 : vector<2048x2048xf32> to vector<2048x2048xbf16>
    %dot_general3A_29 = arith.constant dense<0.000000e+00> : vector<2048x64xf32>
    %dot_general3A_30 = tpu.matmul %convert_element_type3A_28, %convert_element_type3A_23, %dot_general3A_29 {dimension_numbers = #tpu.dot_dimension_numbers<[1], [0], [0], [1], [0, 0, 1, 1], [], []>, transpose_lhs_hint = false} : vector<2048x2048xbf16>, vector<2048x64xbf16>, vector<2048x64xf32> -> vector<2048x64xf32>
    %mul3A = arith.mulf %dot_general3A_30, %convert_element_type3A_20 : vector<2048x64xf32>
    %reduce_sum3A_31 = arith.constant dense<0.000000e+00> : vector<2048xf32>
    %reduce_sum3A_32 = vector.multi_reduction <add>, %mul3A, %reduce_sum3A_31 [1] : vector<2048x64xf32> to vector<2048xf32>
    %sub3A_33 = arith.constant 1.000000e+00 : f32
    %sub3A_34 = vector.broadcast %sub3A_33 : f32 to vector<2048xf32>
    %sub3A_35 = arith.subf %reduce_sum3A_32, %sub3A_34 : vector<2048xf32>
    %convert_element_type3A_36 = arith.fptosi %sub3A_35 : vector<2048xf32> to vector<2048xi32>
    %lt3A = arith.constant 32 : i32
    %lt3A_37 = vector.broadcast %lt3A : i32 to vector<2048xi32>
    %lt3A_38 = arith.cmpi slt, %convert_element_type3A_36, %lt3A_37 : vector<2048xi32>
    %mul3A_39 = arith.constant 32 : i32
    %mul3A_40 = vector.broadcast %mul3A_39 : i32 to vector<2048xi32>
    %mul3A_41 = arith.muli %reduce_min3A_16, %mul3A_40 : vector<2048xi32>
    %add3A = arith.addi %mul3A_41, %convert_element_type3A_36 : vector<2048xi32>
    %jit3A_42 = arith.constant 2048 : i32
    %broadcast_in_dim3A_43 = vector.broadcast %jit3A_42 : i32 to vector<2048xi32>
    %select_n3A_44 = arith.select %lt3A_38, %add3A, %broadcast_in_dim3A_43 : vector<2048xi1>, vector<2048xi32>
    %jit3A_45 = arith.constant 0.000000e+00 : f32
    %broadcast_in_dim3A_46 = vector.broadcast %jit3A_45 : f32 to vector<2048xf32>
    %select_n3A_47 = arith.select %lt3A_38, %reduce_max3A_12, %broadcast_in_dim3A_46 : vector<2048xi1>, vector<2048xf32>
    %reduce_sum3A_48 = arith.constant dense<0.000000e+00> : vector<64xf32>
    %reduce_sum3A_49 = vector.multi_reduction <add>, %convert_element_type3A_20, %reduce_sum3A_48 [0] : vector<2048x64xf32> to vector<64xf32>
    %div3A_50 = arith.constant 2.048000e+03 : f32
    %div3A_51 = vector.broadcast %div3A_50 : f32 to vector<64xf32>
    %div3A_52 = arith.divf %reduce_sum3A_49, %div3A_51 : vector<64xf32>
    %reduce_sum3A_53 = arith.constant dense<0.000000e+00> : vector<64xf32>
    %reduce_sum3A_54 = vector.multi_reduction <add>, %div3A_10, %reduce_sum3A_53 [0] : vector<2048x64xf32> to vector<64xf32>
    %div3A_55 = arith.constant 2.048000e+03 : f32
    %div3A_56 = vector.broadcast %div3A_55 : f32 to vector<64xf32>
    %div3A_57 = arith.divf %reduce_sum3A_54, %div3A_56 : vector<64xf32>
    %mul3A_58 = arith.mulf %div3A_52, %div3A_57 : vector<64xf32>
    %reduce_sum3A_59 = vector.shape_cast %mul3A_58 : vector<64xf32> to vector<1x64xf32>
    %reduce_sum3A_60 = arith.constant dense<0.000000e+00> : vector<1xf32>
    %reduce_sum3A_61 = vector.multi_reduction <add>, %reduce_sum3A_59, %reduce_sum3A_60 [1] : vector<1x64xf32> to vector<1xf32>
    %reduce_sum3A_62 = vector.shape_cast %reduce_sum3A_61 : vector<1xf32> to vector<1x1xf32>
    %reduce_sum3A_63 = vector.extract %reduce_sum3A_62[0, 0] : f32 from vector<1x1xf32>
    %mul3A_64 = arith.constant 6.400000e-01 : f32
    %mul3A_65 = arith.mulf %mul3A_64, %reduce_sum3A_63 : f32
    %squeeze3A = vector.shape_cast %broadcast_in_dim3A : vector<2048x1xf32> to vector<2048xf32>
    %squeeze3A_66 = vector.shape_cast %broadcast_in_dim3A_9 : vector<2048x1xf32> to vector<2048xf32>
    %log3A = math.log %squeeze3A_66 : vector<2048xf32>
    %add3A_67 = arith.addf %squeeze3A, %log3A : vector<2048xf32>
    %mul3A_68 = arith.mulf %add3A_67, %add3A_67 : vector<2048xf32>
    %reduce_sum3A_69 = vector.shape_cast %mul3A_68 : vector<2048xf32> to vector<1x2048xf32>
    %reduce_sum3A_70 = arith.constant dense<0.000000e+00> : vector<1xf32>
    %reduce_sum3A_71 = vector.multi_reduction <add>, %reduce_sum3A_69, %reduce_sum3A_70 [1] : vector<1x2048xf32> to vector<1xf32>
    %reduce_sum3A_72 = vector.shape_cast %reduce_sum3A_71 : vector<1xf32> to vector<1x1xf32>
    %reduce_sum3A_73 = vector.extract %reduce_sum3A_72[0, 0] : f32 from vector<1x1xf32>
    %div3A_74 = arith.constant 2.048000e+03 : f32
    %div3A_75 = arith.divf %reduce_sum3A_73, %div3A_74 : f32
    %broadcast_in_dim3A_76 = vector.shape_cast %select_n3A_44 : vector<2048xi32> to vector<2048x1xi32>
    %swap3A = arith.constant 0 : index
    %swap3A_77 = arith.constant 0 : index
    %swap3A_78 = vector.load %arg2[%swap3A, %swap3A_77] : memref<2048x1xi32, #tpu.memory_space<vmem>>, vector<2048x1xi32>
    tpu.vector_store %arg2[%swap3A, %swap3A_77], %broadcast_in_dim3A_76 {strides = array<i32>} : memref<2048x1xi32, #tpu.memory_space<vmem>>, vector<2048x1xi32>,
    %convert_element_type3A_79 = arith.fptosi %reduce_sum3A_49 : vector<64xf32> to vector<64xi32>
    %broadcast_in_dim3A_80 = vector.shape_cast %convert_element_type3A_79 : vector<64xi32> to vector<64x1xi32>
    %swap3A_81 = arith.constant 0 : index
    %swap3A_82 = arith.constant 0 : index
    %swap3A_83 = vector.load %arg3[%swap3A_81, %swap3A_82] : memref<64x1xi32, #tpu.memory_space<vmem>>, vector<64x1xi32>
    tpu.vector_store %arg3[%swap3A_81, %swap3A_82], %broadcast_in_dim3A_80 {strides = array<i32>} : memref<64x1xi32, #tpu.memory_space<vmem>>, vector<64x1xi32>,
    %broadcast_in_dim3A_84 = vector.shape_cast %select_n3A_47 : vector<2048xf32> to vector<2048x1xf32>
    %mul3A_85 = vector.broadcast %broadcast_in_dim3A_84 : vector<2048x1xf32> to vector<2048x1024xf32>
    %mul3A_86 = arith.mulf %get3A_1, %mul3A_85 : vector<2048x1024xf32>
    %swap3A_87 = arith.constant 0 : index
    %swap3A_88 = arith.constant 0 : index
    %swap3A_89 = vector.load %arg4[%swap3A_87, %swap3A_88] : memref<2048x1024xf32, #tpu.memory_space<vmem>>, vector<2048x1024xf32>
    tpu.vector_store %arg4[%swap3A_87, %swap3A_88], %mul3A_86 {strides = array<i32>} : memref<2048x1024xf32, #tpu.memory_space<vmem>>, vector<2048x1024xf32>,
    %mul3A_90 = arith.constant 1.000000e-03 : f32
    %mul3A_91 = arith.mulf %mul3A_90, %div3A_75 : f32
    %add3A_92 = arith.addf %mul3A_65, %mul3A_91 : f32
    %broadcast_in_dim3A_93 = vector.broadcast %add3A_92 : f32 to vector<1x1xf32>
    %swap3A_94 = arith.constant 0 : index
    %swap3A_95 = arith.constant 0 : index
    %swap3A_96 = vector.load %arg5[%swap3A_94, %swap3A_95] : memref<1x1xf32, #tpu.memory_space<vmem>>, vector<1x1xf32>
    tpu.vector_store %arg5[%swap3A_94, %swap3A_95], %broadcast_in_dim3A_93 {strides = array<i32>} : memref<1x1xf32, #tpu.memory_space<vmem>>, vector<1x1xf32>,
    return
  }
}

module attributes {stable_mosaic.version = 14 : i64} {
  func.func @_moe_body(%arg0: i32, %arg1: i32, %arg2: memref<2048xi32, #tpu.memory_space<smem>>, %arg3: memref<64xi32, #tpu.memory_space<smem>>, %arg4: memref<2048x1024xf32, #tpu.memory_space<vmem>>, %arg5: memref<1x1024x1024xf32, #tpu.memory_space<vmem>>, %arg6: memref<1x1x1024xf32, #tpu.memory_space<vmem>>, %arg7: memref<1x1024x1024xf32, #tpu.memory_space<vmem>>, %arg8: memref<1x1x1024xf32, #tpu.memory_space<vmem>>, %arg9: memref<2048x1024xf32, #tpu.memory_space<vmem>>, %arg10: memref<32x1024xf32, #tpu.memory_space<vmem>>, %arg11: memref<32x1024xf32, #tpu.memory_space<vmem>>) attributes {dimension_semantics = [#tpu.dimension_semantics<arbitrary>, #tpu.dimension_semantics<arbitrary>], iteration_bounds = array<i64: 64, 4>, scalar_prefetch = 0 : i64, scratch_operands = 2 : i64, tpu.core_type = #tpu.core_type<tc>, window_params = [{transform_indices = @transform_0, window_bounds = array<i64: 2048>}, {transform_indices = @transform_1, window_bounds = array<i64: 64>}, {pipeline_mode = #tpu.pipeline_mode<synchronous>, transform_indices = @transform_2, window_bounds = array<i64: 2048, 1024>}, {transform_indices = @transform_3, window_bounds = array<i64: 1, 1024, 1024>}, {transform_indices = @transform_4, window_bounds = array<i64: 1, 1, 1024>}, {transform_indices = @transform_5, window_bounds = array<i64: 1, 1024, 1024>}, {transform_indices = @transform_6, window_bounds = array<i64: 1, 1, 1024>}, {pipeline_mode = #tpu.pipeline_mode<synchronous>, transform_indices = @transform_7, window_bounds = array<i64: 2048, 1024>}]} {
    %eq3A = arith.constant 0 : i32
    %eq3A_0 = arith.cmpi eq, %arg0, %eq3A : i32
    %eq3A_1 = arith.constant 0 : i32
    %eq3A_2 = arith.cmpi eq, %arg1, %eq3A_1 : i32
    %and3A = arith.andi %eq3A_0, %eq3A_2 : i1
    %convert_element_type3A = arith.extui %and3A : i1 to i32
    %cond3A = arith.constant 0 : i32
    %cond3A_3 = arith.cmpi ne, %convert_element_type3A, %cond3A : i32
    scf.if %cond3A_3 {
      %broadcast_in_dim3A = arith.constant 0.000000e+00 : f32
      %broadcast_in_dim3A_49 = vector.broadcast %broadcast_in_dim3A : f32 to vector<2048x1024xf32>
      %swap3A_50 = arith.constant 0 : index
      %swap3A_51 = arith.constant 0 : index
      %swap3A_52 = vector.load %arg9[%swap3A_50, %swap3A_51] : memref<2048x1024xf32, #tpu.memory_space<vmem>>, vector<2048x1024xf32>
      tpu.vector_store %arg9[%swap3A_50, %swap3A_51], %broadcast_in_dim3A_49 {strides = array<i32>} : memref<2048x1024xf32, #tpu.memory_space<vmem>>, vector<2048x1024xf32>,
    } else {
    }
    %get3A = arith.index_cast %arg0 : i32 to index
    %get3A_4 = memref.load %arg3[%get3A] : memref<64xi32, #tpu.memory_space<smem>>
    %eq3A_5 = arith.constant 0 : i32
    %eq3A_6 = arith.cmpi eq, %arg1, %eq3A_5 : i32
    %convert_element_type3A_7 = arith.extui %eq3A_6 : i1 to i32
    %cond3A_8 = arith.constant 0 : i32
    %cond3A_9 = arith.cmpi ne, %convert_element_type3A_7, %cond3A_8 : i32
    scf.if %cond3A_9 {
      %gt3A = arith.constant 0 : i32
      %gt3A_49 = arith.cmpi sgt, %get3A_4, %gt3A : i32
      %mul3A = arith.constant 32 : i32
      %mul3A_50 = arith.muli %arg0, %mul3A : i32
      %add3A_51 = arith.constant 0 : i32
      %add3A_52 = arith.addi %mul3A_50, %add3A_51 : i32
      %get3A_53 = arith.index_cast %add3A_52 : i32 to index
      %get3A_54 = memref.load %arg2[%get3A_53] : memref<2048xi32, #tpu.memory_space<smem>>
      %jit3A = arith.constant 0 : i32
      %select_n3A = arith.select %gt3A_49, %get3A_54, %jit3A : i32
      %jit3A_55 = arith.constant 0 : i32
      %jit3A_56 = arith.constant 2047 : i32
      %max3A_57 = arith.maxsi %jit3A_55, %select_n3A : i32
      %min3A = arith.minsi %jit3A_56, %max3A_57 : i32
      %get3A_58 = arith.index_cast %min3A : i32 to index
      %get3A_59 = arith.constant 0 : index
      %get3A_60 = vector.load %arg4[%get3A_58, %get3A_59] : memref<2048x1024xf32, #tpu.memory_space<vmem>>, vector<1x1024xf32>
      %swap3A_61 = arith.constant 0 : index
      %swap3A_62 = arith.constant 0 : index
      %swap3A_63 = vector.load %arg11[%swap3A_61, %swap3A_62] : memref<32x1024xf32, #tpu.memory_space<vmem>>, vector<1x1024xf32>
      tpu.vector_store %arg11[%swap3A_61, %swap3A_62], %get3A_60 {strides = array<i32>} : memref<32x1024xf32, #tpu.memory_space<vmem>>, vector<1x1024xf32>,
      %gt3A_64 = arith.constant 1 : i32
      %gt3A_65 = arith.cmpi sgt, %get3A_4, %gt3A_64 : i32
      %mul3A_66 = arith.constant 32 : i32
      %mul3A_67 = arith.muli %arg0, %mul3A_66 : i32
      %add3A_68 = arith.constant 1 : i32
      %add3A_69 = arith.addi %mul3A_67, %add3A_68 : i32
      %get3A_70 = arith.index_cast %add3A_69 : i32 to index
      %get3A_71 = memref.load %arg2[%get3A_70] : memref<2048xi32, #tpu.memory_space<smem>>
      %jit3A_72 = arith.constant 0 : i32
      %select_n3A_73 = arith.select %gt3A_65, %get3A_71, %jit3A_72 : i32
      %jit3A_74 = arith.constant 0 : i32
      %jit3A_75 = arith.constant 2047 : i32
      %max3A_76 = arith.maxsi %jit3A_74, %select_n3A_73 : i32
      %min3A_77 = arith.minsi %jit3A_75, %max3A_76 : i32
      %get3A_78 = arith.index_cast %min3A_77 : i32 to index
      %get3A_79 = arith.constant 0 : index
      %get3A_80 = vector.load %arg4[%get3A_78, %get3A_79] : memref<2048x1024xf32, #tpu.memory_space<vmem>>, vector<1x1024xf32>
      %swap3A_81 = arith.constant 1 : index
      %swap3A_82 = arith.constant 0 : index
      %swap3A_83 = vector.load %arg11[%swap3A_81, %swap3A_82] : memref<32x1024xf32, #tpu.memory_space<vmem>>, vector<1x1024xf32>
      tpu.vector_store %arg11[%swap3A_81, %swap3A_82], %get3A_80 {strides = array<i32>} : memref<32x1024xf32, #tpu.memory_space<vmem>>, vector<1x1024xf32>,
      %gt3A_84 = arith.constant 2 : i32
      %gt3A_85 = arith.cmpi sgt, %get3A_4, %gt3A_84 : i32
      %mul3A_86 = arith.constant 32 : i32
      %mul3A_87 = arith.muli %arg0, %mul3A_86 : i32
      %add3A_88 = arith.constant 2 : i32
      %add3A_89 = arith.addi %mul3A_87, %add3A_88 : i32
      %get3A_90 = arith.index_cast %add3A_89 : i32 to index
      %get3A_91 = memref.load %arg2[%get3A_90] : memref<2048xi32, #tpu.memory_space<smem>>
      %jit3A_92 = arith.constant 0 : i32
      %select_n3A_93 = arith.select %gt3A_85, %get3A_91, %jit3A_92 : i32
      %jit3A_94 = arith.constant 0 : i32
      %jit3A_95 = arith.constant 2047 : i32
      %max3A_96 = arith.maxsi %jit3A_94, %select_n3A_93 : i32
      %min3A_97 = arith.minsi %jit3A_95, %max3A_96 : i32
      %get3A_98 = arith.index_cast %min3A_97 : i32 to index
      %get3A_99 = arith.constant 0 : index
      %get3A_100 = vector.load %arg4[%get3A_98, %get3A_99] : memref<2048x1024xf32, #tpu.memory_space<vmem>>, vector<1x1024xf32>
      %swap3A_101 = arith.constant 2 : index
      %swap3A_102 = arith.constant 0 : index
      %swap3A_103 = vector.load %arg11[%swap3A_101, %swap3A_102] : memref<32x1024xf32, #tpu.memory_space<vmem>>, vector<1x1024xf32>
      tpu.vector_store %arg11[%swap3A_101, %swap3A_102], %get3A_100 {strides = array<i32>} : memref<32x1024xf32, #tpu.memory_space<vmem>>, vector<1x1024xf32>,
      %gt3A_104 = arith.constant 3 : i32
      %gt3A_105 = arith.cmpi sgt, %get3A_4, %gt3A_104 : i32
      %mul3A_106 = arith.constant 32 : i32
      %mul3A_107 = arith.muli %arg0, %mul3A_106 : i32
      %add3A_108 = arith.constant 3 : i32
      %add3A_109 = arith.addi %mul3A_107, %add3A_108 : i32
      %get3A_110 = arith.index_cast %add3A_109 : i32 to index
      %get3A_111 = memref.load %arg2[%get3A_110] : memref<2048xi32, #tpu.memory_space<smem>>
      %jit3A_112 = arith.constant 0 : i32
      %select_n3A_113 = arith.select %gt3A_105, %get3A_111, %jit3A_112 : i32
      %jit3A_114 = arith.constant 0 : i32
      %jit3A_115 = arith.constant 2047 : i32
      %max3A_116 = arith.maxsi %jit3A_114, %select_n3A_113 : i32
      %min3A_117 = arith.minsi %jit3A_115, %max3A_116 : i32
      %get3A_118 = arith.index_cast %min3A_117 : i32 to index
      %get3A_119 = arith.constant 0 : index
      %get3A_120 = vector.load %arg4[%get3A_118, %get3A_119] : memref<2048x1024xf32, #tpu.memory_space<vmem>>, vector<1x1024xf32>
      %swap3A_121 = arith.constant 3 : index
      %swap3A_122 = arith.constant 0 : index
      %swap3A_123 = vector.load %arg11[%swap3A_121, %swap3A_122] : memref<32x1024xf32, #tpu.memory_space<vmem>>, vector<1x1024xf32>
      tpu.vector_store %arg11[%swap3A_121, %swap3A_122], %get3A_120 {strides = array<i32>} : memref<32x1024xf32, #tpu.memory_space<vmem>>, vector<1x1024xf32>,
      %gt3A_124 = arith.constant 4 : i32
      %gt3A_125 = arith.cmpi sgt, %get3A_4, %gt3A_124 : i32
      %mul3A_126 = arith.constant 32 : i32
      %mul3A_127 = arith.muli %arg0, %mul3A_126 : i32
      %add3A_128 = arith.constant 4 : i32
      %add3A_129 = arith.addi %mul3A_127, %add3A_128 : i32
      %get3A_130 = arith.index_cast %add3A_129 : i32 to index
      %get3A_131 = memref.load %arg2[%get3A_130] : memref<2048xi32, #tpu.memory_space<smem>>
      %jit3A_132 = arith.constant 0 : i32
      %select_n3A_133 = arith.select %gt3A_125, %get3A_131, %jit3A_132 : i32
      %jit3A_134 = arith.constant 0 : i32
      %jit3A_135 = arith.constant 2047 : i32
      %max3A_136 = arith.maxsi %jit3A_134, %select_n3A_133 : i32
      %min3A_137 = arith.minsi %jit3A_135, %max3A_136 : i32
      %get3A_138 = arith.index_cast %min3A_137 : i32 to index
      %get3A_139 = arith.constant 0 : index
      %get3A_140 = vector.load %arg4[%get3A_138, %get3A_139] : memref<2048x1024xf32, #tpu.memory_space<vmem>>, vector<1x1024xf32>
      %swap3A_141 = arith.constant 4 : index
      %swap3A_142 = arith.constant 0 : index
      %swap3A_143 = vector.load %arg11[%swap3A_141, %swap3A_142] : memref<32x1024xf32, #tpu.memory_space<vmem>>, vector<1x1024xf32>
      tpu.vector_store %arg11[%swap3A_141, %swap3A_142], %get3A_140 {strides = array<i32>} : memref<32x1024xf32, #tpu.memory_space<vmem>>, vector<1x1024xf32>,
      %gt3A_144 = arith.constant 5 : i32
      %gt3A_145 = arith.cmpi sgt, %get3A_4, %gt3A_144 : i32
      %mul3A_146 = arith.constant 32 : i32
      %mul3A_147 = arith.muli %arg0, %mul3A_146 : i32
      %add3A_148 = arith.constant 5 : i32
      %add3A_149 = arith.addi %mul3A_147, %add3A_148 : i32
      %get3A_150 = arith.index_cast %add3A_149 : i32 to index
      %get3A_151 = memref.load %arg2[%get3A_150] : memref<2048xi32, #tpu.memory_space<smem>>
      %jit3A_152 = arith.constant 0 : i32
      %select_n3A_153 = arith.select %gt3A_145, %get3A_151, %jit3A_152 : i32
      %jit3A_154 = arith.constant 0 : i32
      %jit3A_155 = arith.constant 2047 : i32
      %max3A_156 = arith.maxsi %jit3A_154, %select_n3A_153 : i32
      %min3A_157 = arith.minsi %jit3A_155, %max3A_156 : i32
      %get3A_158 = arith.index_cast %min3A_157 : i32 to index
      %get3A_159 = arith.constant 0 : index
      %get3A_160 = vector.load %arg4[%get3A_158, %get3A_159] : memref<2048x1024xf32, #tpu.memory_space<vmem>>, vector<1x1024xf32>
      %swap3A_161 = arith.constant 5 : index
      %swap3A_162 = arith.constant 0 : index
      %swap3A_163 = vector.load %arg11[%swap3A_161, %swap3A_162] : memref<32x1024xf32, #tpu.memory_space<vmem>>, vector<1x1024xf32>
      tpu.vector_store %arg11[%swap3A_161, %swap3A_162], %get3A_160 {strides = array<i32>} : memref<32x1024xf32, #tpu.memory_space<vmem>>, vector<1x1024xf32>,
      %gt3A_164 = arith.constant 6 : i32
      %gt3A_165 = arith.cmpi sgt, %get3A_4, %gt3A_164 : i32
      %mul3A_166 = arith.constant 32 : i32
      %mul3A_167 = arith.muli %arg0, %mul3A_166 : i32
      %add3A_168 = arith.constant 6 : i32
      %add3A_169 = arith.addi %mul3A_167, %add3A_168 : i32
      %get3A_170 = arith.index_cast %add3A_169 : i32 to index
      %get3A_171 = memref.load %arg2[%get3A_170] : memref<2048xi32, #tpu.memory_space<smem>>
      %jit3A_172 = arith.constant 0 : i32
      %select_n3A_173 = arith.select %gt3A_165, %get3A_171, %jit3A_172 : i32
      %jit3A_174 = arith.constant 0 : i32
      %jit3A_175 = arith.constant 2047 : i32
      %max3A_176 = arith.maxsi %jit3A_174, %select_n3A_173 : i32
      %min3A_177 = arith.minsi %jit3A_175, %max3A_176 : i32
      %get3A_178 = arith.index_cast %min3A_177 : i32 to index
      %get3A_179 = arith.constant 0 : index
      %get3A_180 = vector.load %arg4[%get3A_178, %get3A_179] : memref<2048x1024xf32, #tpu.memory_space<vmem>>, vector<1x1024xf32>
      %swap3A_181 = arith.constant 6 : index
      %swap3A_182 = arith.constant 0 : index
      %swap3A_183 = vector.load %arg11[%swap3A_181, %swap3A_182] : memref<32x1024xf32, #tpu.memory_space<vmem>>, vector<1x1024xf32>
      tpu.vector_store %arg11[%swap3A_181, %swap3A_182], %get3A_180 {strides = array<i32>} : memref<32x1024xf32, #tpu.memory_space<vmem>>, vector<1x1024xf32>,
      %gt3A_184 = arith.constant 7 : i32
      %gt3A_185 = arith.cmpi sgt, %get3A_4, %gt3A_184 : i32
      %mul3A_186 = arith.constant 32 : i32
      %mul3A_187 = arith.muli %arg0, %mul3A_186 : i32
      %add3A_188 = arith.constant 7 : i32
      %add3A_189 = arith.addi %mul3A_187, %add3A_188 : i32
      %get3A_190 = arith.index_cast %add3A_189 : i32 to index
      %get3A_191 = memref.load %arg2[%get3A_190] : memref<2048xi32, #tpu.memory_space<smem>>
      %jit3A_192 = arith.constant 0 : i32
      %select_n3A_193 = arith.select %gt3A_185, %get3A_191, %jit3A_192 : i32
      %jit3A_194 = arith.constant 0 : i32
      %jit3A_195 = arith.constant 2047 : i32
      %max3A_196 = arith.maxsi %jit3A_194, %select_n3A_193 : i32
      %min3A_197 = arith.minsi %jit3A_195, %max3A_196 : i32
      %get3A_198 = arith.index_cast %min3A_197 : i32 to index
      %get3A_199 = arith.constant 0 : index
      %get3A_200 = vector.load %arg4[%get3A_198, %get3A_199] : memref<2048x1024xf32, #tpu.memory_space<vmem>>, vector<1x1024xf32>
      %swap3A_201 = arith.constant 7 : index
      %swap3A_202 = arith.constant 0 : index
      %swap3A_203 = vector.load %arg11[%swap3A_201, %swap3A_202] : memref<32x1024xf32, #tpu.memory_space<vmem>>, vector<1x1024xf32>
      tpu.vector_store %arg11[%swap3A_201, %swap3A_202], %get3A_200 {strides = array<i32>} : memref<32x1024xf32, #tpu.memory_space<vmem>>, vector<1x1024xf32>,
      %gt3A_204 = arith.constant 8 : i32
      %gt3A_205 = arith.cmpi sgt, %get3A_4, %gt3A_204 : i32
      %mul3A_206 = arith.constant 32 : i32
      %mul3A_207 = arith.muli %arg0, %mul3A_206 : i32
      %add3A_208 = arith.constant 8 : i32
      %add3A_209 = arith.addi %mul3A_207, %add3A_208 : i32
      %get3A_210 = arith.index_cast %add3A_209 : i32 to index
      %get3A_211 = memref.load %arg2[%get3A_210] : memref<2048xi32, #tpu.memory_space<smem>>
      %jit3A_212 = arith.constant 0 : i32
      %select_n3A_213 = arith.select %gt3A_205, %get3A_211, %jit3A_212 : i32
      %jit3A_214 = arith.constant 0 : i32
      %jit3A_215 = arith.constant 2047 : i32
      %max3A_216 = arith.maxsi %jit3A_214, %select_n3A_213 : i32
      %min3A_217 = arith.minsi %jit3A_215, %max3A_216 : i32
      %get3A_218 = arith.index_cast %min3A_217 : i32 to index
      %get3A_219 = arith.constant 0 : index
      %get3A_220 = vector.load %arg4[%get3A_218, %get3A_219] : memref<2048x1024xf32, #tpu.memory_space<vmem>>, vector<1x1024xf32>
      %swap3A_221 = arith.constant 8 : index
      %swap3A_222 = arith.constant 0 : index
      %swap3A_223 = vector.load %arg11[%swap3A_221, %swap3A_222] : memref<32x1024xf32, #tpu.memory_space<vmem>>, vector<1x1024xf32>
      tpu.vector_store %arg11[%swap3A_221, %swap3A_222], %get3A_220 {strides = array<i32>} : memref<32x1024xf32, #tpu.memory_space<vmem>>, vector<1x1024xf32>,
      %gt3A_224 = arith.constant 9 : i32
      %gt3A_225 = arith.cmpi sgt, %get3A_4, %gt3A_224 : i32
      %mul3A_226 = arith.constant 32 : i32
      %mul3A_227 = arith.muli %arg0, %mul3A_226 : i32
      %add3A_228 = arith.constant 9 : i32
      %add3A_229 = arith.addi %mul3A_227, %add3A_228 : i32
      %get3A_230 = arith.index_cast %add3A_229 : i32 to index
      %get3A_231 = memref.load %arg2[%get3A_230] : memref<2048xi32, #tpu.memory_space<smem>>
      %jit3A_232 = arith.constant 0 : i32
      %select_n3A_233 = arith.select %gt3A_225, %get3A_231, %jit3A_232 : i32
      %jit3A_234 = arith.constant 0 : i32
      %jit3A_235 = arith.constant 2047 : i32
      %max3A_236 = arith.maxsi %jit3A_234, %select_n3A_233 : i32
      %min3A_237 = arith.minsi %jit3A_235, %max3A_236 : i32
      %get3A_238 = arith.index_cast %min3A_237 : i32 to index
      %get3A_239 = arith.constant 0 : index
      %get3A_240 = vector.load %arg4[%get3A_238, %get3A_239] : memref<2048x1024xf32, #tpu.memory_space<vmem>>, vector<1x1024xf32>
      %swap3A_241 = arith.constant 9 : index
      %swap3A_242 = arith.constant 0 : index
      %swap3A_243 = vector.load %arg11[%swap3A_241, %swap3A_242] : memref<32x1024xf32, #tpu.memory_space<vmem>>, vector<1x1024xf32>
      tpu.vector_store %arg11[%swap3A_241, %swap3A_242], %get3A_240 {strides = array<i32>} : memref<32x1024xf32, #tpu.memory_space<vmem>>, vector<1x1024xf32>,
      %gt3A_244 = arith.constant 10 : i32
      %gt3A_245 = arith.cmpi sgt, %get3A_4, %gt3A_244 : i32
      %mul3A_246 = arith.constant 32 : i32
      %mul3A_247 = arith.muli %arg0, %mul3A_246 : i32
      %add3A_248 = arith.constant 10 : i32
      %add3A_249 = arith.addi %mul3A_247, %add3A_248 : i32
      %get3A_250 = arith.index_cast %add3A_249 : i32 to index
      %get3A_251 = memref.load %arg2[%get3A_250] : memref<2048xi32, #tpu.memory_space<smem>>
      %jit3A_252 = arith.constant 0 : i32
      %select_n3A_253 = arith.select %gt3A_245, %get3A_251, %jit3A_252 : i32
      %jit3A_254 = arith.constant 0 : i32
      %jit3A_255 = arith.constant 2047 : i32
      %max3A_256 = arith.maxsi %jit3A_254, %select_n3A_253 : i32
      %min3A_257 = arith.minsi %jit3A_255, %max3A_256 : i32
      %get3A_258 = arith.index_cast %min3A_257 : i32 to index
      %get3A_259 = arith.constant 0 : index
      %get3A_260 = vector.load %arg4[%get3A_258, %get3A_259] : memref<2048x1024xf32, #tpu.memory_space<vmem>>, vector<1x1024xf32>
      %swap3A_261 = arith.constant 10 : index
      %swap3A_262 = arith.constant 0 : index
      %swap3A_263 = vector.load %arg11[%swap3A_261, %swap3A_262] : memref<32x1024xf32, #tpu.memory_space<vmem>>, vector<1x1024xf32>
      tpu.vector_store %arg11[%swap3A_261, %swap3A_262], %get3A_260 {strides = array<i32>} : memref<32x1024xf32, #tpu.memory_space<vmem>>, vector<1x1024xf32>,
      %gt3A_264 = arith.constant 11 : i32
      %gt3A_265 = arith.cmpi sgt, %get3A_4, %gt3A_264 : i32
      %mul3A_266 = arith.constant 32 : i32
      %mul3A_267 = arith.muli %arg0, %mul3A_266 : i32
      %add3A_268 = arith.constant 11 : i32
      %add3A_269 = arith.addi %mul3A_267, %add3A_268 : i32
      %get3A_270 = arith.index_cast %add3A_269 : i32 to index
      %get3A_271 = memref.load %arg2[%get3A_270] : memref<2048xi32, #tpu.memory_space<smem>>
      %jit3A_272 = arith.constant 0 : i32
      %select_n3A_273 = arith.select %gt3A_265, %get3A_271, %jit3A_272 : i32
      %jit3A_274 = arith.constant 0 : i32
      %jit3A_275 = arith.constant 2047 : i32
      %max3A_276 = arith.maxsi %jit3A_274, %select_n3A_273 : i32
      %min3A_277 = arith.minsi %jit3A_275, %max3A_276 : i32
      %get3A_278 = arith.index_cast %min3A_277 : i32 to index
      %get3A_279 = arith.constant 0 : index
      %get3A_280 = vector.load %arg4[%get3A_278, %get3A_279] : memref<2048x1024xf32, #tpu.memory_space<vmem>>, vector<1x1024xf32>
      %swap3A_281 = arith.constant 11 : index
      %swap3A_282 = arith.constant 0 : index
      %swap3A_283 = vector.load %arg11[%swap3A_281, %swap3A_282] : memref<32x1024xf32, #tpu.memory_space<vmem>>, vector<1x1024xf32>
      tpu.vector_store %arg11[%swap3A_281, %swap3A_282], %get3A_280 {strides = array<i32>} : memref<32x1024xf32, #tpu.memory_space<vmem>>, vector<1x1024xf32>,
      %gt3A_284 = arith.constant 12 : i32
      %gt3A_285 = arith.cmpi sgt, %get3A_4, %gt3A_284 : i32
      %mul3A_286 = arith.constant 32 : i32
      %mul3A_287 = arith.muli %arg0, %mul3A_286 : i32
      %add3A_288 = arith.constant 12 : i32
      %add3A_289 = arith.addi %mul3A_287, %add3A_288 : i32
      %get3A_290 = arith.index_cast %add3A_289 : i32 to index
      %get3A_291 = memref.load %arg2[%get3A_290] : memref<2048xi32, #tpu.memory_space<smem>>
      %jit3A_292 = arith.constant 0 : i32
      %select_n3A_293 = arith.select %gt3A_285, %get3A_291, %jit3A_292 : i32
      %jit3A_294 = arith.constant 0 : i32
      %jit3A_295 = arith.constant 2047 : i32
      %max3A_296 = arith.maxsi %jit3A_294, %select_n3A_293 : i32
      %min3A_297 = arith.minsi %jit3A_295, %max3A_296 : i32
      %get3A_298 = arith.index_cast %min3A_297 : i32 to index
      %get3A_299 = arith.constant 0 : index
      %get3A_300 = vector.load %arg4[%get3A_298, %get3A_299] : memref<2048x1024xf32, #tpu.memory_space<vmem>>, vector<1x1024xf32>
      %swap3A_301 = arith.constant 12 : index
      %swap3A_302 = arith.constant 0 : index
      %swap3A_303 = vector.load %arg11[%swap3A_301, %swap3A_302] : memref<32x1024xf32, #tpu.memory_space<vmem>>, vector<1x1024xf32>
      tpu.vector_store %arg11[%swap3A_301, %swap3A_302], %get3A_300 {strides = array<i32>} : memref<32x1024xf32, #tpu.memory_space<vmem>>, vector<1x1024xf32>,
      %gt3A_304 = arith.constant 13 : i32
      %gt3A_305 = arith.cmpi sgt, %get3A_4, %gt3A_304 : i32
      %mul3A_306 = arith.constant 32 : i32
      %mul3A_307 = arith.muli %arg0, %mul3A_306 : i32
      %add3A_308 = arith.constant 13 : i32
      %add3A_309 = arith.addi %mul3A_307, %add3A_308 : i32
      %get3A_310 = arith.index_cast %add3A_309 : i32 to index
      %get3A_311 = memref.load %arg2[%get3A_310] : memref<2048xi32, #tpu.memory_space<smem>>
      %jit3A_312 = arith.constant 0 : i32
      %select_n3A_313 = arith.select %gt3A_305, %get3A_311, %jit3A_312 : i32
      %jit3A_314 = arith.constant 0 : i32
      %jit3A_315 = arith.constant 2047 : i32
      %max3A_316 = arith.maxsi %jit3A_314, %select_n3A_313 : i32
      %min3A_317 = arith.minsi %jit3A_315, %max3A_316 : i32
      %get3A_318 = arith.index_cast %min3A_317 : i32 to index
      %get3A_319 = arith.constant 0 : index
      %get3A_320 = vector.load %arg4[%get3A_318, %get3A_319] : memref<2048x1024xf32, #tpu.memory_space<vmem>>, vector<1x1024xf32>
      %swap3A_321 = arith.constant 13 : index
      %swap3A_322 = arith.constant 0 : index
      %swap3A_323 = vector.load %arg11[%swap3A_321, %swap3A_322] : memref<32x1024xf32, #tpu.memory_space<vmem>>, vector<1x1024xf32>
      tpu.vector_store %arg11[%swap3A_321, %swap3A_322], %get3A_320 {strides = array<i32>} : memref<32x1024xf32, #tpu.memory_space<vmem>>, vector<1x1024xf32>,
      %gt3A_324 = arith.constant 14 : i32
      %gt3A_325 = arith.cmpi sgt, %get3A_4, %gt3A_324 : i32
      %mul3A_326 = arith.constant 32 : i32
      %mul3A_327 = arith.muli %arg0, %mul3A_326 : i32
      %add3A_328 = arith.constant 14 : i32
      %add3A_329 = arith.addi %mul3A_327, %add3A_328 : i32
      %get3A_330 = arith.index_cast %add3A_329 : i32 to index
      %get3A_331 = memref.load %arg2[%get3A_330] : memref<2048xi32, #tpu.memory_space<smem>>
      %jit3A_332 = arith.constant 0 : i32
      %select_n3A_333 = arith.select %gt3A_325, %get3A_331, %jit3A_332 : i32
      %jit3A_334 = arith.constant 0 : i32
      %jit3A_335 = arith.constant 2047 : i32
      %max3A_336 = arith.maxsi %jit3A_334, %select_n3A_333 : i32
      %min3A_337 = arith.minsi %jit3A_335, %max3A_336 : i32
      %get3A_338 = arith.index_cast %min3A_337 : i32 to index
      %get3A_339 = arith.constant 0 : index
      %get3A_340 = vector.load %arg4[%get3A_338, %get3A_339] : memref<2048x1024xf32, #tpu.memory_space<vmem>>, vector<1x1024xf32>
      %swap3A_341 = arith.constant 14 : index
      %swap3A_342 = arith.constant 0 : index
      %swap3A_343 = vector.load %arg11[%swap3A_341, %swap3A_342] : memref<32x1024xf32, #tpu.memory_space<vmem>>, vector<1x1024xf32>
      tpu.vector_store %arg11[%swap3A_341, %swap3A_342], %get3A_340 {strides = array<i32>} : memref<32x1024xf32, #tpu.memory_space<vmem>>, vector<1x1024xf32>,
      %gt3A_344 = arith.constant 15 : i32
      %gt3A_345 = arith.cmpi sgt, %get3A_4, %gt3A_344 : i32
      %mul3A_346 = arith.constant 32 : i32
      %mul3A_347 = arith.muli %arg0, %mul3A_346 : i32
      %add3A_348 = arith.constant 15 : i32
      %add3A_349 = arith.addi %mul3A_347, %add3A_348 : i32
      %get3A_350 = arith.index_cast %add3A_349 : i32 to index
      %get3A_351 = memref.load %arg2[%get3A_350] : memref<2048xi32, #tpu.memory_space<smem>>
      %jit3A_352 = arith.constant 0 : i32
      %select_n3A_353 = arith.select %gt3A_345, %get3A_351, %jit3A_352 : i32
      %jit3A_354 = arith.constant 0 : i32
      %jit3A_355 = arith.constant 2047 : i32
      %max3A_356 = arith.maxsi %jit3A_354, %select_n3A_353 : i32
      %min3A_357 = arith.minsi %jit3A_355, %max3A_356 : i32
      %get3A_358 = arith.index_cast %min3A_357 : i32 to index
      %get3A_359 = arith.constant 0 : index
      %get3A_360 = vector.load %arg4[%get3A_358, %get3A_359] : memref<2048x1024xf32, #tpu.memory_space<vmem>>, vector<1x1024xf32>
      %swap3A_361 = arith.constant 15 : index
      %swap3A_362 = arith.constant 0 : index
      %swap3A_363 = vector.load %arg11[%swap3A_361, %swap3A_362] : memref<32x1024xf32, #tpu.memory_space<vmem>>, vector<1x1024xf32>
      tpu.vector_store %arg11[%swap3A_361, %swap3A_362], %get3A_360 {strides = array<i32>} : memref<32x1024xf32, #tpu.memory_space<vmem>>, vector<1x1024xf32>,
      %gt3A_364 = arith.constant 16 : i32
      %gt3A_365 = arith.cmpi sgt, %get3A_4, %gt3A_364 : i32
      %mul3A_366 = arith.constant 32 : i32
      %mul3A_367 = arith.muli %arg0, %mul3A_366 : i32
      %add3A_368 = arith.constant 16 : i32
      %add3A_369 = arith.addi %mul3A_367, %add3A_368 : i32
      %get3A_370 = arith.index_cast %add3A_369 : i32 to index
      %get3A_371 = memref.load %arg2[%get3A_370] : memref<2048xi32, #tpu.memory_space<smem>>
      %jit3A_372 = arith.constant 0 : i32
      %select_n3A_373 = arith.select %gt3A_365, %get3A_371, %jit3A_372 : i32
      %jit3A_374 = arith.constant 0 : i32
      %jit3A_375 = arith.constant 2047 : i32
      %max3A_376 = arith.maxsi %jit3A_374, %select_n3A_373 : i32
      %min3A_377 = arith.minsi %jit3A_375, %max3A_376 : i32
      %get3A_378 = arith.index_cast %min3A_377 : i32 to index
      %get3A_379 = arith.constant 0 : index
      %get3A_380 = vector.load %arg4[%get3A_378, %get3A_379] : memref<2048x1024xf32, #tpu.memory_space<vmem>>, vector<1x1024xf32>
      %swap3A_381 = arith.constant 16 : index
      %swap3A_382 = arith.constant 0 : index
      %swap3A_383 = vector.load %arg11[%swap3A_381, %swap3A_382] : memref<32x1024xf32, #tpu.memory_space<vmem>>, vector<1x1024xf32>
      tpu.vector_store %arg11[%swap3A_381, %swap3A_382], %get3A_380 {strides = array<i32>} : memref<32x1024xf32, #tpu.memory_space<vmem>>, vector<1x1024xf32>,
      %gt3A_384 = arith.constant 17 : i32
      %gt3A_385 = arith.cmpi sgt, %get3A_4, %gt3A_384 : i32
      %mul3A_386 = arith.constant 32 : i32
      %mul3A_387 = arith.muli %arg0, %mul3A_386 : i32
      %add3A_388 = arith.constant 17 : i32
      %add3A_389 = arith.addi %mul3A_387, %add3A_388 : i32
      %get3A_390 = arith.index_cast %add3A_389 : i32 to index
      %get3A_391 = memref.load %arg2[%get3A_390] : memref<2048xi32, #tpu.memory_space<smem>>
      %jit3A_392 = arith.constant 0 : i32
      %select_n3A_393 = arith.select %gt3A_385, %get3A_391, %jit3A_392 : i32
      %jit3A_394 = arith.constant 0 : i32
      %jit3A_395 = arith.constant 2047 : i32
      %max3A_396 = arith.maxsi %jit3A_394, %select_n3A_393 : i32
      %min3A_397 = arith.minsi %jit3A_395, %max3A_396 : i32
      %get3A_398 = arith.index_cast %min3A_397 : i32 to index
      %get3A_399 = arith.constant 0 : index
      %get3A_400 = vector.load %arg4[%get3A_398, %get3A_399] : memref<2048x1024xf32, #tpu.memory_space<vmem>>, vector<1x1024xf32>
      %swap3A_401 = arith.constant 17 : index
      %swap3A_402 = arith.constant 0 : index
      %swap3A_403 = vector.load %arg11[%swap3A_401, %swap3A_402] : memref<32x1024xf32, #tpu.memory_space<vmem>>, vector<1x1024xf32>
      tpu.vector_store %arg11[%swap3A_401, %swap3A_402], %get3A_400 {strides = array<i32>} : memref<32x1024xf32, #tpu.memory_space<vmem>>, vector<1x1024xf32>,
      %gt3A_404 = arith.constant 18 : i32
      %gt3A_405 = arith.cmpi sgt, %get3A_4, %gt3A_404 : i32
      %mul3A_406 = arith.constant 32 : i32
      %mul3A_407 = arith.muli %arg0, %mul3A_406 : i32
      %add3A_408 = arith.constant 18 : i32
      %add3A_409 = arith.addi %mul3A_407, %add3A_408 : i32
      %get3A_410 = arith.index_cast %add3A_409 : i32 to index
      %get3A_411 = memref.load %arg2[%get3A_410] : memref<2048xi32, #tpu.memory_space<smem>>
      %jit3A_412 = arith.constant 0 : i32
      %select_n3A_413 = arith.select %gt3A_405, %get3A_411, %jit3A_412 : i32
      %jit3A_414 = arith.constant 0 : i32
      %jit3A_415 = arith.constant 2047 : i32
      %max3A_416 = arith.maxsi %jit3A_414, %select_n3A_413 : i32
      %min3A_417 = arith.minsi %jit3A_415, %max3A_416 : i32
      %get3A_418 = arith.index_cast %min3A_417 : i32 to index
      %get3A_419 = arith.constant 0 : index
      %get3A_420 = vector.load %arg4[%get3A_418, %get3A_419] : memref<2048x1024xf32, #tpu.memory_space<vmem>>, vector<1x1024xf32>
      %swap3A_421 = arith.constant 18 : index
      %swap3A_422 = arith.constant 0 : index
      %swap3A_423 = vector.load %arg11[%swap3A_421, %swap3A_422] : memref<32x1024xf32, #tpu.memory_space<vmem>>, vector<1x1024xf32>
      tpu.vector_store %arg11[%swap3A_421, %swap3A_422], %get3A_420 {strides = array<i32>} : memref<32x1024xf32, #tpu.memory_space<vmem>>, vector<1x1024xf32>,
      %gt3A_424 = arith.constant 19 : i32
      %gt3A_425 = arith.cmpi sgt, %get3A_4, %gt3A_424 : i32
      %mul3A_426 = arith.constant 32 : i32
      %mul3A_427 = arith.muli %arg0, %mul3A_426 : i32
      %add3A_428 = arith.constant 19 : i32
      %add3A_429 = arith.addi %mul3A_427, %add3A_428 : i32
      %get3A_430 = arith.index_cast %add3A_429 : i32 to index
      %get3A_431 = memref.load %arg2[%get3A_430] : memref<2048xi32, #tpu.memory_space<smem>>
      %jit3A_432 = arith.constant 0 : i32
      %select_n3A_433 = arith.select %gt3A_425, %get3A_431, %jit3A_432 : i32
      %jit3A_434 = arith.constant 0 : i32
      %jit3A_435 = arith.constant 2047 : i32
      %max3A_436 = arith.maxsi %jit3A_434, %select_n3A_433 : i32
      %min3A_437 = arith.minsi %jit3A_435, %max3A_436 : i32
      %get3A_438 = arith.index_cast %min3A_437 : i32 to index
      %get3A_439 = arith.constant 0 : index
      %get3A_440 = vector.load %arg4[%get3A_438, %get3A_439] : memref<2048x1024xf32, #tpu.memory_space<vmem>>, vector<1x1024xf32>
      %swap3A_441 = arith.constant 19 : index
      %swap3A_442 = arith.constant 0 : index
      %swap3A_443 = vector.load %arg11[%swap3A_441, %swap3A_442] : memref<32x1024xf32, #tpu.memory_space<vmem>>, vector<1x1024xf32>
      tpu.vector_store %arg11[%swap3A_441, %swap3A_442], %get3A_440 {strides = array<i32>} : memref<32x1024xf32, #tpu.memory_space<vmem>>, vector<1x1024xf32>,
      %gt3A_444 = arith.constant 20 : i32
      %gt3A_445 = arith.cmpi sgt, %get3A_4, %gt3A_444 : i32
      %mul3A_446 = arith.constant 32 : i32
      %mul3A_447 = arith.muli %arg0, %mul3A_446 : i32
      %add3A_448 = arith.constant 20 : i32
      %add3A_449 = arith.addi %mul3A_447, %add3A_448 : i32
      %get3A_450 = arith.index_cast %add3A_449 : i32 to index
      %get3A_451 = memref.load %arg2[%get3A_450] : memref<2048xi32, #tpu.memory_space<smem>>
      %jit3A_452 = arith.constant 0 : i32
      %select_n3A_453 = arith.select %gt3A_445, %get3A_451, %jit3A_452 : i32
      %jit3A_454 = arith.constant 0 : i32
      %jit3A_455 = arith.constant 2047 : i32
      %max3A_456 = arith.maxsi %jit3A_454, %select_n3A_453 : i32
      %min3A_457 = arith.minsi %jit3A_455, %max3A_456 : i32
      %get3A_458 = arith.index_cast %min3A_457 : i32 to index
      %get3A_459 = arith.constant 0 : index
      %get3A_460 = vector.load %arg4[%get3A_458, %get3A_459] : memref<2048x1024xf32, #tpu.memory_space<vmem>>, vector<1x1024xf32>
      %swap3A_461 = arith.constant 20 : index
      %swap3A_462 = arith.constant 0 : index
      %swap3A_463 = vector.load %arg11[%swap3A_461, %swap3A_462] : memref<32x1024xf32, #tpu.memory_space<vmem>>, vector<1x1024xf32>
      tpu.vector_store %arg11[%swap3A_461, %swap3A_462], %get3A_460 {strides = array<i32>} : memref<32x1024xf32, #tpu.memory_space<vmem>>, vector<1x1024xf32>,
      %gt3A_464 = arith.constant 21 : i32
      %gt3A_465 = arith.cmpi sgt, %get3A_4, %gt3A_464 : i32
      %mul3A_466 = arith.constant 32 : i32
      %mul3A_467 = arith.muli %arg0, %mul3A_466 : i32
      %add3A_468 = arith.constant 21 : i32
      %add3A_469 = arith.addi %mul3A_467, %add3A_468 : i32
      %get3A_470 = arith.index_cast %add3A_469 : i32 to index
      %get3A_471 = memref.load %arg2[%get3A_470] : memref<2048xi32, #tpu.memory_space<smem>>
      %jit3A_472 = arith.constant 0 : i32
      %select_n3A_473 = arith.select %gt3A_465, %get3A_471, %jit3A_472 : i32
      %jit3A_474 = arith.constant 0 : i32
      %jit3A_475 = arith.constant 2047 : i32
      %max3A_476 = arith.maxsi %jit3A_474, %select_n3A_473 : i32
      %min3A_477 = arith.minsi %jit3A_475, %max3A_476 : i32
      %get3A_478 = arith.index_cast %min3A_477 : i32 to index
      %get3A_479 = arith.constant 0 : index
      %get3A_480 = vector.load %arg4[%get3A_478, %get3A_479] : memref<2048x1024xf32, #tpu.memory_space<vmem>>, vector<1x1024xf32>
      %swap3A_481 = arith.constant 21 : index
      %swap3A_482 = arith.constant 0 : index
      %swap3A_483 = vector.load %arg11[%swap3A_481, %swap3A_482] : memref<32x1024xf32, #tpu.memory_space<vmem>>, vector<1x1024xf32>
      tpu.vector_store %arg11[%swap3A_481, %swap3A_482], %get3A_480 {strides = array<i32>} : memref<32x1024xf32, #tpu.memory_space<vmem>>, vector<1x1024xf32>,
      %gt3A_484 = arith.constant 22 : i32
      %gt3A_485 = arith.cmpi sgt, %get3A_4, %gt3A_484 : i32
      %mul3A_486 = arith.constant 32 : i32
      %mul3A_487 = arith.muli %arg0, %mul3A_486 : i32
      %add3A_488 = arith.constant 22 : i32
      %add3A_489 = arith.addi %mul3A_487, %add3A_488 : i32
      %get3A_490 = arith.index_cast %add3A_489 : i32 to index
      %get3A_491 = memref.load %arg2[%get3A_490] : memref<2048xi32, #tpu.memory_space<smem>>
      %jit3A_492 = arith.constant 0 : i32
      %select_n3A_493 = arith.select %gt3A_485, %get3A_491, %jit3A_492 : i32
      %jit3A_494 = arith.constant 0 : i32
      %jit3A_495 = arith.constant 2047 : i32
      %max3A_496 = arith.maxsi %jit3A_494, %select_n3A_493 : i32
      %min3A_497 = arith.minsi %jit3A_495, %max3A_496 : i32
      %get3A_498 = arith.index_cast %min3A_497 : i32 to index
      %get3A_499 = arith.constant 0 : index
      %get3A_500 = vector.load %arg4[%get3A_498, %get3A_499] : memref<2048x1024xf32, #tpu.memory_space<vmem>>, vector<1x1024xf32>
      %swap3A_501 = arith.constant 22 : index
      %swap3A_502 = arith.constant 0 : index
      %swap3A_503 = vector.load %arg11[%swap3A_501, %swap3A_502] : memref<32x1024xf32, #tpu.memory_space<vmem>>, vector<1x1024xf32>
      tpu.vector_store %arg11[%swap3A_501, %swap3A_502], %get3A_500 {strides = array<i32>} : memref<32x1024xf32, #tpu.memory_space<vmem>>, vector<1x1024xf32>,
      %gt3A_504 = arith.constant 23 : i32
      %gt3A_505 = arith.cmpi sgt, %get3A_4, %gt3A_504 : i32
      %mul3A_506 = arith.constant 32 : i32
      %mul3A_507 = arith.muli %arg0, %mul3A_506 : i32
      %add3A_508 = arith.constant 23 : i32
      %add3A_509 = arith.addi %mul3A_507, %add3A_508 : i32
      %get3A_510 = arith.index_cast %add3A_509 : i32 to index
      %get3A_511 = memref.load %arg2[%get3A_510] : memref<2048xi32, #tpu.memory_space<smem>>
      %jit3A_512 = arith.constant 0 : i32
      %select_n3A_513 = arith.select %gt3A_505, %get3A_511, %jit3A_512 : i32
      %jit3A_514 = arith.constant 0 : i32
      %jit3A_515 = arith.constant 2047 : i32
      %max3A_516 = arith.maxsi %jit3A_514, %select_n3A_513 : i32
      %min3A_517 = arith.minsi %jit3A_515, %max3A_516 : i32
      %get3A_518 = arith.index_cast %min3A_517 : i32 to index
      %get3A_519 = arith.constant 0 : index
      %get3A_520 = vector.load %arg4[%get3A_518, %get3A_519] : memref<2048x1024xf32, #tpu.memory_space<vmem>>, vector<1x1024xf32>
      %swap3A_521 = arith.constant 23 : index
      %swap3A_522 = arith.constant 0 : index
      %swap3A_523 = vector.load %arg11[%swap3A_521, %swap3A_522] : memref<32x1024xf32, #tpu.memory_space<vmem>>, vector<1x1024xf32>
      tpu.vector_store %arg11[%swap3A_521, %swap3A_522], %get3A_520 {strides = array<i32>} : memref<32x1024xf32, #tpu.memory_space<vmem>>, vector<1x1024xf32>,
      %gt3A_524 = arith.constant 24 : i32
      %gt3A_525 = arith.cmpi sgt, %get3A_4, %gt3A_524 : i32
      %mul3A_526 = arith.constant 32 : i32
      %mul3A_527 = arith.muli %arg0, %mul3A_526 : i32
      %add3A_528 = arith.constant 24 : i32
      %add3A_529 = arith.addi %mul3A_527, %add3A_528 : i32
      %get3A_530 = arith.index_cast %add3A_529 : i32 to index
      %get3A_531 = memref.load %arg2[%get3A_530] : memref<2048xi32, #tpu.memory_space<smem>>
      %jit3A_532 = arith.constant 0 : i32
      %select_n3A_533 = arith.select %gt3A_525, %get3A_531, %jit3A_532 : i32
      %jit3A_534 = arith.constant 0 : i32
      %jit3A_535 = arith.constant 2047 : i32
      %max3A_536 = arith.maxsi %jit3A_534, %select_n3A_533 : i32
      %min3A_537 = arith.minsi %jit3A_535, %max3A_536 : i32
      %get3A_538 = arith.index_cast %min3A_537 : i32 to index
      %get3A_539 = arith.constant 0 : index
      %get3A_540 = vector.load %arg4[%get3A_538, %get3A_539] : memref<2048x1024xf32, #tpu.memory_space<vmem>>, vector<1x1024xf32>
      %swap3A_541 = arith.constant 24 : index
      %swap3A_542 = arith.constant 0 : index
      %swap3A_543 = vector.load %arg11[%swap3A_541, %swap3A_542] : memref<32x1024xf32, #tpu.memory_space<vmem>>, vector<1x1024xf32>
      tpu.vector_store %arg11[%swap3A_541, %swap3A_542], %get3A_540 {strides = array<i32>} : memref<32x1024xf32, #tpu.memory_space<vmem>>, vector<1x1024xf32>,
      %gt3A_544 = arith.constant 25 : i32
      %gt3A_545 = arith.cmpi sgt, %get3A_4, %gt3A_544 : i32
      %mul3A_546 = arith.constant 32 : i32
      %mul3A_547 = arith.muli %arg0, %mul3A_546 : i32
      %add3A_548 = arith.constant 25 : i32
      %add3A_549 = arith.addi %mul3A_547, %add3A_548 : i32
      %get3A_550 = arith.index_cast %add3A_549 : i32 to index
      %get3A_551 = memref.load %arg2[%get3A_550] : memref<2048xi32, #tpu.memory_space<smem>>
      %jit3A_552 = arith.constant 0 : i32
      %select_n3A_553 = arith.select %gt3A_545, %get3A_551, %jit3A_552 : i32
      %jit3A_554 = arith.constant 0 : i32
      %jit3A_555 = arith.constant 2047 : i32
      %max3A_556 = arith.maxsi %jit3A_554, %select_n3A_553 : i32
      %min3A_557 = arith.minsi %jit3A_555, %max3A_556 : i32
      %get3A_558 = arith.index_cast %min3A_557 : i32 to index
      %get3A_559 = arith.constant 0 : index
      %get3A_560 = vector.load %arg4[%get3A_558, %get3A_559] : memref<2048x1024xf32, #tpu.memory_space<vmem>>, vector<1x1024xf32>
      %swap3A_561 = arith.constant 25 : index
      %swap3A_562 = arith.constant 0 : index
      %swap3A_563 = vector.load %arg11[%swap3A_561, %swap3A_562] : memref<32x1024xf32, #tpu.memory_space<vmem>>, vector<1x1024xf32>
      tpu.vector_store %arg11[%swap3A_561, %swap3A_562], %get3A_560 {strides = array<i32>} : memref<32x1024xf32, #tpu.memory_space<vmem>>, vector<1x1024xf32>,
      %gt3A_564 = arith.constant 26 : i32
      %gt3A_565 = arith.cmpi sgt, %get3A_4, %gt3A_564 : i32
      %mul3A_566 = arith.constant 32 : i32
      %mul3A_567 = arith.muli %arg0, %mul3A_566 : i32
      %add3A_568 = arith.constant 26 : i32
      %add3A_569 = arith.addi %mul3A_567, %add3A_568 : i32
      %get3A_570 = arith.index_cast %add3A_569 : i32 to index
      %get3A_571 = memref.load %arg2[%get3A_570] : memref<2048xi32, #tpu.memory_space<smem>>
      %jit3A_572 = arith.constant 0 : i32
      %select_n3A_573 = arith.select %gt3A_565, %get3A_571, %jit3A_572 : i32
      %jit3A_574 = arith.constant 0 : i32
      %jit3A_575 = arith.constant 2047 : i32
      %max3A_576 = arith.maxsi %jit3A_574, %select_n3A_573 : i32
      %min3A_577 = arith.minsi %jit3A_575, %max3A_576 : i32
      %get3A_578 = arith.index_cast %min3A_577 : i32 to index
      %get3A_579 = arith.constant 0 : index
      %get3A_580 = vector.load %arg4[%get3A_578, %get3A_579] : memref<2048x1024xf32, #tpu.memory_space<vmem>>, vector<1x1024xf32>
      %swap3A_581 = arith.constant 26 : index
      %swap3A_582 = arith.constant 0 : index
      %swap3A_583 = vector.load %arg11[%swap3A_581, %swap3A_582] : memref<32x1024xf32, #tpu.memory_space<vmem>>, vector<1x1024xf32>
      tpu.vector_store %arg11[%swap3A_581, %swap3A_582], %get3A_580 {strides = array<i32>} : memref<32x1024xf32, #tpu.memory_space<vmem>>, vector<1x1024xf32>,
      %gt3A_584 = arith.constant 27 : i32
      %gt3A_585 = arith.cmpi sgt, %get3A_4, %gt3A_584 : i32
      %mul3A_586 = arith.constant 32 : i32
      %mul3A_587 = arith.muli %arg0, %mul3A_586 : i32
      %add3A_588 = arith.constant 27 : i32
      %add3A_589 = arith.addi %mul3A_587, %add3A_588 : i32
      %get3A_590 = arith.index_cast %add3A_589 : i32 to index
      %get3A_591 = memref.load %arg2[%get3A_590] : memref<2048xi32, #tpu.memory_space<smem>>
      %jit3A_592 = arith.constant 0 : i32
      %select_n3A_593 = arith.select %gt3A_585, %get3A_591, %jit3A_592 : i32
      %jit3A_594 = arith.constant 0 : i32
      %jit3A_595 = arith.constant 2047 : i32
      %max3A_596 = arith.maxsi %jit3A_594, %select_n3A_593 : i32
      %min3A_597 = arith.minsi %jit3A_595, %max3A_596 : i32
      %get3A_598 = arith.index_cast %min3A_597 : i32 to index
      %get3A_599 = arith.constant 0 : index
      %get3A_600 = vector.load %arg4[%get3A_598, %get3A_599] : memref<2048x1024xf32, #tpu.memory_space<vmem>>, vector<1x1024xf32>
      %swap3A_601 = arith.constant 27 : index
      %swap3A_602 = arith.constant 0 : index
      %swap3A_603 = vector.load %arg11[%swap3A_601, %swap3A_602] : memref<32x1024xf32, #tpu.memory_space<vmem>>, vector<1x1024xf32>
      tpu.vector_store %arg11[%swap3A_601, %swap3A_602], %get3A_600 {strides = array<i32>} : memref<32x1024xf32, #tpu.memory_space<vmem>>, vector<1x1024xf32>,
      %gt3A_604 = arith.constant 28 : i32
      %gt3A_605 = arith.cmpi sgt, %get3A_4, %gt3A_604 : i32
      %mul3A_606 = arith.constant 32 : i32
      %mul3A_607 = arith.muli %arg0, %mul3A_606 : i32
      %add3A_608 = arith.constant 28 : i32
      %add3A_609 = arith.addi %mul3A_607, %add3A_608 : i32
      %get3A_610 = arith.index_cast %add3A_609 : i32 to index
      %get3A_611 = memref.load %arg2[%get3A_610] : memref<2048xi32, #tpu.memory_space<smem>>
      %jit3A_612 = arith.constant 0 : i32
      %select_n3A_613 = arith.select %gt3A_605, %get3A_611, %jit3A_612 : i32
      %jit3A_614 = arith.constant 0 : i32
      %jit3A_615 = arith.constant 2047 : i32
      %max3A_616 = arith.maxsi %jit3A_614, %select_n3A_613 : i32
      %min3A_617 = arith.minsi %jit3A_615, %max3A_616 : i32
      %get3A_618 = arith.index_cast %min3A_617 : i32 to index
      %get3A_619 = arith.constant 0 : index
      %get3A_620 = vector.load %arg4[%get3A_618, %get3A_619] : memref<2048x1024xf32, #tpu.memory_space<vmem>>, vector<1x1024xf32>
      %swap3A_621 = arith.constant 28 : index
      %swap3A_622 = arith.constant 0 : index
      %swap3A_623 = vector.load %arg11[%swap3A_621, %swap3A_622] : memref<32x1024xf32, #tpu.memory_space<vmem>>, vector<1x1024xf32>
      tpu.vector_store %arg11[%swap3A_621, %swap3A_622], %get3A_620 {strides = array<i32>} : memref<32x1024xf32, #tpu.memory_space<vmem>>, vector<1x1024xf32>,
      %gt3A_624 = arith.constant 29 : i32
      %gt3A_625 = arith.cmpi sgt, %get3A_4, %gt3A_624 : i32
      %mul3A_626 = arith.constant 32 : i32
      %mul3A_627 = arith.muli %arg0, %mul3A_626 : i32
      %add3A_628 = arith.constant 29 : i32
      %add3A_629 = arith.addi %mul3A_627, %add3A_628 : i32
      %get3A_630 = arith.index_cast %add3A_629 : i32 to index
      %get3A_631 = memref.load %arg2[%get3A_630] : memref<2048xi32, #tpu.memory_space<smem>>
      %jit3A_632 = arith.constant 0 : i32
      %select_n3A_633 = arith.select %gt3A_625, %get3A_631, %jit3A_632 : i32
      %jit3A_634 = arith.constant 0 : i32
      %jit3A_635 = arith.constant 2047 : i32
      %max3A_636 = arith.maxsi %jit3A_634, %select_n3A_633 : i32
      %min3A_637 = arith.minsi %jit3A_635, %max3A_636 : i32
      %get3A_638 = arith.index_cast %min3A_637 : i32 to index
      %get3A_639 = arith.constant 0 : index
      %get3A_640 = vector.load %arg4[%get3A_638, %get3A_639] : memref<2048x1024xf32, #tpu.memory_space<vmem>>, vector<1x1024xf32>
      %swap3A_641 = arith.constant 29 : index
      %swap3A_642 = arith.constant 0 : index
      %swap3A_643 = vector.load %arg11[%swap3A_641, %swap3A_642] : memref<32x1024xf32, #tpu.memory_space<vmem>>, vector<1x1024xf32>
      tpu.vector_store %arg11[%swap3A_641, %swap3A_642], %get3A_640 {strides = array<i32>} : memref<32x1024xf32, #tpu.memory_space<vmem>>, vector<1x1024xf32>,
      %gt3A_644 = arith.constant 30 : i32
      %gt3A_645 = arith.cmpi sgt, %get3A_4, %gt3A_644 : i32
      %mul3A_646 = arith.constant 32 : i32
      %mul3A_647 = arith.muli %arg0, %mul3A_646 : i32
      %add3A_648 = arith.constant 30 : i32
      %add3A_649 = arith.addi %mul3A_647, %add3A_648 : i32
      %get3A_650 = arith.index_cast %add3A_649 : i32 to index
      %get3A_651 = memref.load %arg2[%get3A_650] : memref<2048xi32, #tpu.memory_space<smem>>
      %jit3A_652 = arith.constant 0 : i32
      %select_n3A_653 = arith.select %gt3A_645, %get3A_651, %jit3A_652 : i32
      %jit3A_654 = arith.constant 0 : i32
      %jit3A_655 = arith.constant 2047 : i32
      %max3A_656 = arith.maxsi %jit3A_654, %select_n3A_653 : i32
      %min3A_657 = arith.minsi %jit3A_655, %max3A_656 : i32
      %get3A_658 = arith.index_cast %min3A_657 : i32 to index
      %get3A_659 = arith.constant 0 : index
      %get3A_660 = vector.load %arg4[%get3A_658, %get3A_659] : memref<2048x1024xf32, #tpu.memory_space<vmem>>, vector<1x1024xf32>
      %swap3A_661 = arith.constant 30 : index
      %swap3A_662 = arith.constant 0 : index
      %swap3A_663 = vector.load %arg11[%swap3A_661, %swap3A_662] : memref<32x1024xf32, #tpu.memory_space<vmem>>, vector<1x1024xf32>
      tpu.vector_store %arg11[%swap3A_661, %swap3A_662], %get3A_660 {strides = array<i32>} : memref<32x1024xf32, #tpu.memory_space<vmem>>, vector<1x1024xf32>,
      %gt3A_664 = arith.constant 31 : i32
      %gt3A_665 = arith.cmpi sgt, %get3A_4, %gt3A_664 : i32
      %mul3A_666 = arith.constant 32 : i32
      %mul3A_667 = arith.muli %arg0, %mul3A_666 : i32
      %add3A_668 = arith.constant 31 : i32
      %add3A_669 = arith.addi %mul3A_667, %add3A_668 : i32
      %get3A_670 = arith.index_cast %add3A_669 : i32 to index
      %get3A_671 = memref.load %arg2[%get3A_670] : memref<2048xi32, #tpu.memory_space<smem>>
      %jit3A_672 = arith.constant 0 : i32
      %select_n3A_673 = arith.select %gt3A_665, %get3A_671, %jit3A_672 : i32
      %jit3A_674 = arith.constant 0 : i32
      %jit3A_675 = arith.constant 2047 : i32
      %max3A_676 = arith.maxsi %jit3A_674, %select_n3A_673 : i32
      %min3A_677 = arith.minsi %jit3A_675, %max3A_676 : i32
      %get3A_678 = arith.index_cast %min3A_677 : i32 to index
      %get3A_679 = arith.constant 0 : index
      %get3A_680 = vector.load %arg4[%get3A_678, %get3A_679] : memref<2048x1024xf32, #tpu.memory_space<vmem>>, vector<1x1024xf32>
      %swap3A_681 = arith.constant 31 : index
      %swap3A_682 = arith.constant 0 : index
      %swap3A_683 = vector.load %arg11[%swap3A_681, %swap3A_682] : memref<32x1024xf32, #tpu.memory_space<vmem>>, vector<1x1024xf32>
      tpu.vector_store %arg11[%swap3A_681, %swap3A_682], %get3A_680 {strides = array<i32>} : memref<32x1024xf32, #tpu.memory_space<vmem>>, vector<1x1024xf32>,
      %get3A_684 = arith.constant 0 : index
      %get3A_685 = arith.constant 0 : index
      %get3A_686 = arith.constant 0 : index
      %get3A_687 = vector.load %arg8[%get3A_684, %get3A_685, %get3A_686] : memref<1x1x1024xf32, #tpu.memory_space<vmem>>, vector<1x1x1024xf32>
      %get3A_688 = vector.shape_cast %get3A_687 : vector<1x1x1024xf32> to vector<1x1024xf32>
      %broadcast_in_dim3A = vector.shape_cast %get3A_688 : vector<1x1024xf32> to vector<1x1024xf32>
      %broadcast_in_dim3A_689 = vector.broadcast %broadcast_in_dim3A : vector<1x1024xf32> to vector<32x1024xf32>
      %swap3A_690 = arith.constant 0 : index
      %swap3A_691 = arith.constant 0 : index
      %swap3A_692 = vector.load %arg10[%swap3A_690, %swap3A_691] : memref<32x1024xf32, #tpu.memory_space<vmem>>, vector<32x1024xf32>
      tpu.vector_store %arg10[%swap3A_690, %swap3A_691], %broadcast_in_dim3A_689 {strides = array<i32>} : memref<32x1024xf32, #tpu.memory_space<vmem>>, vector<32x1024xf32>,
    } else {
    }
    %get3A_10 = arith.constant 0 : index
    %get3A_11 = arith.constant 0 : index
    %get3A_12 = vector.load %arg11[%get3A_10, %get3A_11] : memref<32x1024xf32, #tpu.memory_space<vmem>>, vector<32x1024xf32>
    %convert_element_type3A_13 = arith.truncf %get3A_12 : vector<32x1024xf32> to vector<32x1024xbf16>
    %get3A_14 = arith.constant 0 : index
    %get3A_15 = arith.constant 0 : index
    %get3A_16 = arith.constant 0 : index
    %get3A_17 = vector.load %arg5[%get3A_14, %get3A_15, %get3A_16] : memref<1x1024x1024xf32, #tpu.memory_space<vmem>>, vector<1x1024x1024xf32>
    %get3A_18 = vector.shape_cast %get3A_17 : vector<1x1024x1024xf32> to vector<1024x1024xf32>
    %convert_element_type3A_19 = arith.truncf %get3A_18 : vector<1024x1024xf32> to vector<1024x1024xbf16>
    %get3A_20 = arith.constant 0 : index
    %get3A_21 = arith.constant 0 : index
    %get3A_22 = arith.constant 0 : index
    %get3A_23 = vector.load %arg7[%get3A_20, %get3A_21, %get3A_22] : memref<1x1024x1024xf32, #tpu.memory_space<vmem>>, vector<1x1024x1024xf32>
    %get3A_24 = vector.shape_cast %get3A_23 : vector<1x1024x1024xf32> to vector<1024x1024xf32>
    %convert_element_type3A_25 = arith.truncf %get3A_24 : vector<1024x1024xf32> to vector<1024x1024xbf16>
    %dot_general3A = arith.constant dense<0.000000e+00> : vector<32x1024xf32>
    %dot_general3A_26 = tpu.matmul %convert_element_type3A_13, %convert_element_type3A_19, %dot_general3A {dimension_numbers = #tpu.dot_dimension_numbers<[1], [0], [0], [1], [0, 0, 1, 1], [], []>, transpose_lhs_hint = false} : vector<32x1024xbf16>, vector<1024x1024xbf16>, vector<32x1024xf32> -> vector<32x1024xf32>
    %get3A_27 = arith.constant 0 : index
    %get3A_28 = arith.constant 0 : index
    %get3A_29 = arith.constant 0 : index
    %get3A_30 = vector.load %arg6[%get3A_27, %get3A_28, %get3A_29] : memref<1x1x1024xf32, #tpu.memory_space<vmem>>, vector<1x1x1024xf32>
    %get3A_31 = vector.shape_cast %get3A_30 : vector<1x1x1024xf32> to vector<1x1024xf32>
    %add3A = vector.broadcast %get3A_31 : vector<1x1024xf32> to vector<32x1024xf32>
    %add3A_32 = arith.addf %dot_general3A_26, %add3A : vector<32x1024xf32>
    %max3A = arith.constant 0.000000e+00 : f32
    %max3A_33 = vector.broadcast %max3A : f32 to vector<32x1024xf32>
    %max3A_34 = arith.maximumf %add3A_32, %max3A_33 : vector<32x1024xf32>
    %convert_element_type3A_35 = arith.truncf %max3A_34 : vector<32x1024xf32> to vector<32x1024xbf16>
    %get3A_36 = arith.constant 0 : index
    %get3A_37 = arith.constant 0 : index
    %get3A_38 = vector.load %arg10[%get3A_36, %get3A_37] : memref<32x1024xf32, #tpu.memory_space<vmem>>, vector<32x1024xf32>
    %dot_general3A_39 = arith.constant dense<0.000000e+00> : vector<32x1024xf32>
    %dot_general3A_40 = tpu.matmul %convert_element_type3A_35, %convert_element_type3A_25, %dot_general3A_39 {dimension_numbers = #tpu.dot_dimension_numbers<[1], [0], [0], [1], [0, 0, 1, 1], [], []>, transpose_lhs_hint = false} : vector<32x1024xbf16>, vector<1024x1024xbf16>, vector<32x1024xf32> -> vector<32x1024xf32>
    %add3A_41 = arith.addf %get3A_38, %dot_general3A_40 : vector<32x1024xf32>
    %swap3A = arith.constant 0 : index
    %swap3A_42 = arith.constant 0 : index
    %swap3A_43 = vector.load %arg10[%swap3A, %swap3A_42] : memref<32x1024xf32, #tpu.memory_space<vmem>>, vector<32x1024xf32>
    tpu.vector_store %arg10[%swap3A, %swap3A_42], %add3A_41 {strides = array<i32>} : memref<32x1024xf32, #tpu.memory_space<vmem>>, vector<32x1024xf32>,
    %eq3A_44 = arith.constant 3 : i32
    %eq3A_45 = arith.cmpi eq, %arg1, %eq3A_44 : i32
    %convert_element_type3A_46 = arith.extui %eq3A_45 : i1 to i32
    %cond3A_47 = arith.constant 0 : i32
    %cond3A_48 = arith.cmpi ne, %convert_element_type3A_46, %cond3A_47 : i32
    scf.if %cond3A_48 {
      %mul3A = arith.constant 32 : i32
      %mul3A_49 = arith.muli %arg0, %mul3A : i32
      %add3A_50 = arith.constant 0 : i32
      %add3A_51 = arith.addi %mul3A_49, %add3A_50 : i32
      %get3A_52 = arith.index_cast %add3A_51 : i32 to index
      %get3A_53 = memref.load %arg2[%get3A_52] : memref<2048xi32, #tpu.memory_space<smem>>
      %jit3A = arith.constant 0 : i32
      %jit3A_54 = arith.constant 2047 : i32
      %max3A_55 = arith.maxsi %jit3A, %get3A_53 : i32
      %min3A = arith.minsi %jit3A_54, %max3A_55 : i32
      %gt3A = arith.constant 0 : i32
      %gt3A_56 = arith.cmpi sgt, %get3A_4, %gt3A : i32
      %convert_element_type3A_57 = arith.extui %gt3A_56 : i1 to i32
      %cond3A_58 = arith.constant 0 : i32
      %cond3A_59 = arith.cmpi ne, %convert_element_type3A_57, %cond3A_58 : i32
      scf.if %cond3A_59 {
        %get3A_525 = arith.constant 0 : index
        %get3A_526 = arith.constant 0 : index
        %get3A_527 = vector.load %arg10[%get3A_525, %get3A_526] : memref<32x1024xf32, #tpu.memory_space<vmem>>, vector<1x1024xf32>
        %swap3A_528 = arith.index_cast %min3A : i32 to index
        %swap3A_529 = arith.constant 0 : index
        %swap3A_530 = vector.load %arg9[%swap3A_528, %swap3A_529] : memref<2048x1024xf32, #tpu.memory_space<vmem>>, vector<1x1024xf32>
        tpu.vector_store %arg9[%swap3A_528, %swap3A_529], %get3A_527 {strides = array<i32>} : memref<2048x1024xf32, #tpu.memory_space<vmem>>, vector<1x1024xf32>,
      } else {
      }
      %mul3A_60 = arith.constant 32 : i32
      %mul3A_61 = arith.muli %arg0, %mul3A_60 : i32
      %add3A_62 = arith.constant 1 : i32
      %add3A_63 = arith.addi %mul3A_61, %add3A_62 : i32
      %get3A_64 = arith.index_cast %add3A_63 : i32 to index
      %get3A_65 = memref.load %arg2[%get3A_64] : memref<2048xi32, #tpu.memory_space<smem>>
      %jit3A_66 = arith.constant 0 : i32
      %jit3A_67 = arith.constant 2047 : i32
      %max3A_68 = arith.maxsi %jit3A_66, %get3A_65 : i32
      %min3A_69 = arith.minsi %jit3A_67, %max3A_68 : i32
      %gt3A_70 = arith.constant 1 : i32
      %gt3A_71 = arith.cmpi sgt, %get3A_4, %gt3A_70 : i32
      %convert_element_type3A_72 = arith.extui %gt3A_71 : i1 to i32
      %cond3A_73 = arith.constant 0 : i32
      %cond3A_74 = arith.cmpi ne, %convert_element_type3A_72, %cond3A_73 : i32
      scf.if %cond3A_74 {
        %get3A_525 = arith.constant 1 : index
        %get3A_526 = arith.constant 0 : index
        %get3A_527 = vector.load %arg10[%get3A_525, %get3A_526] : memref<32x1024xf32, #tpu.memory_space<vmem>>, vector<1x1024xf32>
        %swap3A_528 = arith.index_cast %min3A_69 : i32 to index
        %swap3A_529 = arith.constant 0 : index
        %swap3A_530 = vector.load %arg9[%swap3A_528, %swap3A_529] : memref<2048x1024xf32, #tpu.memory_space<vmem>>, vector<1x1024xf32>
        tpu.vector_store %arg9[%swap3A_528, %swap3A_529], %get3A_527 {strides = array<i32>} : memref<2048x1024xf32, #tpu.memory_space<vmem>>, vector<1x1024xf32>,
      } else {
      }
      %mul3A_75 = arith.constant 32 : i32
      %mul3A_76 = arith.muli %arg0, %mul3A_75 : i32
      %add3A_77 = arith.constant 2 : i32
      %add3A_78 = arith.addi %mul3A_76, %add3A_77 : i32
      %get3A_79 = arith.index_cast %add3A_78 : i32 to index
      %get3A_80 = memref.load %arg2[%get3A_79] : memref<2048xi32, #tpu.memory_space<smem>>
      %jit3A_81 = arith.constant 0 : i32
      %jit3A_82 = arith.constant 2047 : i32
      %max3A_83 = arith.maxsi %jit3A_81, %get3A_80 : i32
      %min3A_84 = arith.minsi %jit3A_82, %max3A_83 : i32
      %gt3A_85 = arith.constant 2 : i32
      %gt3A_86 = arith.cmpi sgt, %get3A_4, %gt3A_85 : i32
      %convert_element_type3A_87 = arith.extui %gt3A_86 : i1 to i32
      %cond3A_88 = arith.constant 0 : i32
      %cond3A_89 = arith.cmpi ne, %convert_element_type3A_87, %cond3A_88 : i32
      scf.if %cond3A_89 {
        %get3A_525 = arith.constant 2 : index
        %get3A_526 = arith.constant 0 : index
        %get3A_527 = vector.load %arg10[%get3A_525, %get3A_526] : memref<32x1024xf32, #tpu.memory_space<vmem>>, vector<1x1024xf32>
        %swap3A_528 = arith.index_cast %min3A_84 : i32 to index
        %swap3A_529 = arith.constant 0 : index
        %swap3A_530 = vector.load %arg9[%swap3A_528, %swap3A_529] : memref<2048x1024xf32, #tpu.memory_space<vmem>>, vector<1x1024xf32>
        tpu.vector_store %arg9[%swap3A_528, %swap3A_529], %get3A_527 {strides = array<i32>} : memref<2048x1024xf32, #tpu.memory_space<vmem>>, vector<1x1024xf32>,
      } else {
      }
      %mul3A_90 = arith.constant 32 : i32
      %mul3A_91 = arith.muli %arg0, %mul3A_90 : i32
      %add3A_92 = arith.constant 3 : i32
      %add3A_93 = arith.addi %mul3A_91, %add3A_92 : i32
      %get3A_94 = arith.index_cast %add3A_93 : i32 to index
      %get3A_95 = memref.load %arg2[%get3A_94] : memref<2048xi32, #tpu.memory_space<smem>>
      %jit3A_96 = arith.constant 0 : i32
      %jit3A_97 = arith.constant 2047 : i32
      %max3A_98 = arith.maxsi %jit3A_96, %get3A_95 : i32
      %min3A_99 = arith.minsi %jit3A_97, %max3A_98 : i32
      %gt3A_100 = arith.constant 3 : i32
      %gt3A_101 = arith.cmpi sgt, %get3A_4, %gt3A_100 : i32
      %convert_element_type3A_102 = arith.extui %gt3A_101 : i1 to i32
      %cond3A_103 = arith.constant 0 : i32
      %cond3A_104 = arith.cmpi ne, %convert_element_type3A_102, %cond3A_103 : i32
      scf.if %cond3A_104 {
        %get3A_525 = arith.constant 3 : index
        %get3A_526 = arith.constant 0 : index
        %get3A_527 = vector.load %arg10[%get3A_525, %get3A_526] : memref<32x1024xf32, #tpu.memory_space<vmem>>, vector<1x1024xf32>
        %swap3A_528 = arith.index_cast %min3A_99 : i32 to index
        %swap3A_529 = arith.constant 0 : index
        %swap3A_530 = vector.load %arg9[%swap3A_528, %swap3A_529] : memref<2048x1024xf32, #tpu.memory_space<vmem>>, vector<1x1024xf32>
        tpu.vector_store %arg9[%swap3A_528, %swap3A_529], %get3A_527 {strides = array<i32>} : memref<2048x1024xf32, #tpu.memory_space<vmem>>, vector<1x1024xf32>,
      } else {
      }
      %mul3A_105 = arith.constant 32 : i32
      %mul3A_106 = arith.muli %arg0, %mul3A_105 : i32
      %add3A_107 = arith.constant 4 : i32
      %add3A_108 = arith.addi %mul3A_106, %add3A_107 : i32
      %get3A_109 = arith.index_cast %add3A_108 : i32 to index
      %get3A_110 = memref.load %arg2[%get3A_109] : memref<2048xi32, #tpu.memory_space<smem>>
      %jit3A_111 = arith.constant 0 : i32
      %jit3A_112 = arith.constant 2047 : i32
      %max3A_113 = arith.maxsi %jit3A_111, %get3A_110 : i32
      %min3A_114 = arith.minsi %jit3A_112, %max3A_113 : i32
      %gt3A_115 = arith.constant 4 : i32
      %gt3A_116 = arith.cmpi sgt, %get3A_4, %gt3A_115 : i32
      %convert_element_type3A_117 = arith.extui %gt3A_116 : i1 to i32
      %cond3A_118 = arith.constant 0 : i32
      %cond3A_119 = arith.cmpi ne, %convert_element_type3A_117, %cond3A_118 : i32
      scf.if %cond3A_119 {
        %get3A_525 = arith.constant 4 : index
        %get3A_526 = arith.constant 0 : index
        %get3A_527 = vector.load %arg10[%get3A_525, %get3A_526] : memref<32x1024xf32, #tpu.memory_space<vmem>>, vector<1x1024xf32>
        %swap3A_528 = arith.index_cast %min3A_114 : i32 to index
        %swap3A_529 = arith.constant 0 : index
        %swap3A_530 = vector.load %arg9[%swap3A_528, %swap3A_529] : memref<2048x1024xf32, #tpu.memory_space<vmem>>, vector<1x1024xf32>
        tpu.vector_store %arg9[%swap3A_528, %swap3A_529], %get3A_527 {strides = array<i32>} : memref<2048x1024xf32, #tpu.memory_space<vmem>>, vector<1x1024xf32>,
      } else {
      }
      %mul3A_120 = arith.constant 32 : i32
      %mul3A_121 = arith.muli %arg0, %mul3A_120 : i32
      %add3A_122 = arith.constant 5 : i32
      %add3A_123 = arith.addi %mul3A_121, %add3A_122 : i32
      %get3A_124 = arith.index_cast %add3A_123 : i32 to index
      %get3A_125 = memref.load %arg2[%get3A_124] : memref<2048xi32, #tpu.memory_space<smem>>
      %jit3A_126 = arith.constant 0 : i32
      %jit3A_127 = arith.constant 2047 : i32
      %max3A_128 = arith.maxsi %jit3A_126, %get3A_125 : i32
      %min3A_129 = arith.minsi %jit3A_127, %max3A_128 : i32
      %gt3A_130 = arith.constant 5 : i32
      %gt3A_131 = arith.cmpi sgt, %get3A_4, %gt3A_130 : i32
      %convert_element_type3A_132 = arith.extui %gt3A_131 : i1 to i32
      %cond3A_133 = arith.constant 0 : i32
      %cond3A_134 = arith.cmpi ne, %convert_element_type3A_132, %cond3A_133 : i32
      scf.if %cond3A_134 {
        %get3A_525 = arith.constant 5 : index
        %get3A_526 = arith.constant 0 : index
        %get3A_527 = vector.load %arg10[%get3A_525, %get3A_526] : memref<32x1024xf32, #tpu.memory_space<vmem>>, vector<1x1024xf32>
        %swap3A_528 = arith.index_cast %min3A_129 : i32 to index
        %swap3A_529 = arith.constant 0 : index
        %swap3A_530 = vector.load %arg9[%swap3A_528, %swap3A_529] : memref<2048x1024xf32, #tpu.memory_space<vmem>>, vector<1x1024xf32>
        tpu.vector_store %arg9[%swap3A_528, %swap3A_529], %get3A_527 {strides = array<i32>} : memref<2048x1024xf32, #tpu.memory_space<vmem>>, vector<1x1024xf32>,
      } else {
      }
      %mul3A_135 = arith.constant 32 : i32
      %mul3A_136 = arith.muli %arg0, %mul3A_135 : i32
      %add3A_137 = arith.constant 6 : i32
      %add3A_138 = arith.addi %mul3A_136, %add3A_137 : i32
      %get3A_139 = arith.index_cast %add3A_138 : i32 to index
      %get3A_140 = memref.load %arg2[%get3A_139] : memref<2048xi32, #tpu.memory_space<smem>>
      %jit3A_141 = arith.constant 0 : i32
      %jit3A_142 = arith.constant 2047 : i32
      %max3A_143 = arith.maxsi %jit3A_141, %get3A_140 : i32
      %min3A_144 = arith.minsi %jit3A_142, %max3A_143 : i32
      %gt3A_145 = arith.constant 6 : i32
      %gt3A_146 = arith.cmpi sgt, %get3A_4, %gt3A_145 : i32
      %convert_element_type3A_147 = arith.extui %gt3A_146 : i1 to i32
      %cond3A_148 = arith.constant 0 : i32
      %cond3A_149 = arith.cmpi ne, %convert_element_type3A_147, %cond3A_148 : i32
      scf.if %cond3A_149 {
        %get3A_525 = arith.constant 6 : index
        %get3A_526 = arith.constant 0 : index
        %get3A_527 = vector.load %arg10[%get3A_525, %get3A_526] : memref<32x1024xf32, #tpu.memory_space<vmem>>, vector<1x1024xf32>
        %swap3A_528 = arith.index_cast %min3A_144 : i32 to index
        %swap3A_529 = arith.constant 0 : index
        %swap3A_530 = vector.load %arg9[%swap3A_528, %swap3A_529] : memref<2048x1024xf32, #tpu.memory_space<vmem>>, vector<1x1024xf32>
        tpu.vector_store %arg9[%swap3A_528, %swap3A_529], %get3A_527 {strides = array<i32>} : memref<2048x1024xf32, #tpu.memory_space<vmem>>, vector<1x1024xf32>,
      } else {
      }
      %mul3A_150 = arith.constant 32 : i32
      %mul3A_151 = arith.muli %arg0, %mul3A_150 : i32
      %add3A_152 = arith.constant 7 : i32
      %add3A_153 = arith.addi %mul3A_151, %add3A_152 : i32
      %get3A_154 = arith.index_cast %add3A_153 : i32 to index
      %get3A_155 = memref.load %arg2[%get3A_154] : memref<2048xi32, #tpu.memory_space<smem>>
      %jit3A_156 = arith.constant 0 : i32
      %jit3A_157 = arith.constant 2047 : i32
      %max3A_158 = arith.maxsi %jit3A_156, %get3A_155 : i32
      %min3A_159 = arith.minsi %jit3A_157, %max3A_158 : i32
      %gt3A_160 = arith.constant 7 : i32
      %gt3A_161 = arith.cmpi sgt, %get3A_4, %gt3A_160 : i32
      %convert_element_type3A_162 = arith.extui %gt3A_161 : i1 to i32
      %cond3A_163 = arith.constant 0 : i32
      %cond3A_164 = arith.cmpi ne, %convert_element_type3A_162, %cond3A_163 : i32
      scf.if %cond3A_164 {
        %get3A_525 = arith.constant 7 : index
        %get3A_526 = arith.constant 0 : index
        %get3A_527 = vector.load %arg10[%get3A_525, %get3A_526] : memref<32x1024xf32, #tpu.memory_space<vmem>>, vector<1x1024xf32>
        %swap3A_528 = arith.index_cast %min3A_159 : i32 to index
        %swap3A_529 = arith.constant 0 : index
        %swap3A_530 = vector.load %arg9[%swap3A_528, %swap3A_529] : memref<2048x1024xf32, #tpu.memory_space<vmem>>, vector<1x1024xf32>
        tpu.vector_store %arg9[%swap3A_528, %swap3A_529], %get3A_527 {strides = array<i32>} : memref<2048x1024xf32, #tpu.memory_space<vmem>>, vector<1x1024xf32>,
      } else {
      }
      %mul3A_165 = arith.constant 32 : i32
      %mul3A_166 = arith.muli %arg0, %mul3A_165 : i32
      %add3A_167 = arith.constant 8 : i32
      %add3A_168 = arith.addi %mul3A_166, %add3A_167 : i32
      %get3A_169 = arith.index_cast %add3A_168 : i32 to index
      %get3A_170 = memref.load %arg2[%get3A_169] : memref<2048xi32, #tpu.memory_space<smem>>
      %jit3A_171 = arith.constant 0 : i32
      %jit3A_172 = arith.constant 2047 : i32
      %max3A_173 = arith.maxsi %jit3A_171, %get3A_170 : i32
      %min3A_174 = arith.minsi %jit3A_172, %max3A_173 : i32
      %gt3A_175 = arith.constant 8 : i32
      %gt3A_176 = arith.cmpi sgt, %get3A_4, %gt3A_175 : i32
      %convert_element_type3A_177 = arith.extui %gt3A_176 : i1 to i32
      %cond3A_178 = arith.constant 0 : i32
      %cond3A_179 = arith.cmpi ne, %convert_element_type3A_177, %cond3A_178 : i32
      scf.if %cond3A_179 {
        %get3A_525 = arith.constant 8 : index
        %get3A_526 = arith.constant 0 : index
        %get3A_527 = vector.load %arg10[%get3A_525, %get3A_526] : memref<32x1024xf32, #tpu.memory_space<vmem>>, vector<1x1024xf32>
        %swap3A_528 = arith.index_cast %min3A_174 : i32 to index
        %swap3A_529 = arith.constant 0 : index
        %swap3A_530 = vector.load %arg9[%swap3A_528, %swap3A_529] : memref<2048x1024xf32, #tpu.memory_space<vmem>>, vector<1x1024xf32>
        tpu.vector_store %arg9[%swap3A_528, %swap3A_529], %get3A_527 {strides = array<i32>} : memref<2048x1024xf32, #tpu.memory_space<vmem>>, vector<1x1024xf32>,
      } else {
      }
      %mul3A_180 = arith.constant 32 : i32
      %mul3A_181 = arith.muli %arg0, %mul3A_180 : i32
      %add3A_182 = arith.constant 9 : i32
      %add3A_183 = arith.addi %mul3A_181, %add3A_182 : i32
      %get3A_184 = arith.index_cast %add3A_183 : i32 to index
      %get3A_185 = memref.load %arg2[%get3A_184] : memref<2048xi32, #tpu.memory_space<smem>>
      %jit3A_186 = arith.constant 0 : i32
      %jit3A_187 = arith.constant 2047 : i32
      %max3A_188 = arith.maxsi %jit3A_186, %get3A_185 : i32
      %min3A_189 = arith.minsi %jit3A_187, %max3A_188 : i32
      %gt3A_190 = arith.constant 9 : i32
      %gt3A_191 = arith.cmpi sgt, %get3A_4, %gt3A_190 : i32
      %convert_element_type3A_192 = arith.extui %gt3A_191 : i1 to i32
      %cond3A_193 = arith.constant 0 : i32
      %cond3A_194 = arith.cmpi ne, %convert_element_type3A_192, %cond3A_193 : i32
      scf.if %cond3A_194 {
        %get3A_525 = arith.constant 9 : index
        %get3A_526 = arith.constant 0 : index
        %get3A_527 = vector.load %arg10[%get3A_525, %get3A_526] : memref<32x1024xf32, #tpu.memory_space<vmem>>, vector<1x1024xf32>
        %swap3A_528 = arith.index_cast %min3A_189 : i32 to index
        %swap3A_529 = arith.constant 0 : index
        %swap3A_530 = vector.load %arg9[%swap3A_528, %swap3A_529] : memref<2048x1024xf32, #tpu.memory_space<vmem>>, vector<1x1024xf32>
        tpu.vector_store %arg9[%swap3A_528, %swap3A_529], %get3A_527 {strides = array<i32>} : memref<2048x1024xf32, #tpu.memory_space<vmem>>, vector<1x1024xf32>,
      } else {
      }
      %mul3A_195 = arith.constant 32 : i32
      %mul3A_196 = arith.muli %arg0, %mul3A_195 : i32
      %add3A_197 = arith.constant 10 : i32
      %add3A_198 = arith.addi %mul3A_196, %add3A_197 : i32
      %get3A_199 = arith.index_cast %add3A_198 : i32 to index
      %get3A_200 = memref.load %arg2[%get3A_199] : memref<2048xi32, #tpu.memory_space<smem>>
      %jit3A_201 = arith.constant 0 : i32
      %jit3A_202 = arith.constant 2047 : i32
      %max3A_203 = arith.maxsi %jit3A_201, %get3A_200 : i32
      %min3A_204 = arith.minsi %jit3A_202, %max3A_203 : i32
      %gt3A_205 = arith.constant 10 : i32
      %gt3A_206 = arith.cmpi sgt, %get3A_4, %gt3A_205 : i32
      %convert_element_type3A_207 = arith.extui %gt3A_206 : i1 to i32
      %cond3A_208 = arith.constant 0 : i32
      %cond3A_209 = arith.cmpi ne, %convert_element_type3A_207, %cond3A_208 : i32
      scf.if %cond3A_209 {
        %get3A_525 = arith.constant 10 : index
        %get3A_526 = arith.constant 0 : index
        %get3A_527 = vector.load %arg10[%get3A_525, %get3A_526] : memref<32x1024xf32, #tpu.memory_space<vmem>>, vector<1x1024xf32>
        %swap3A_528 = arith.index_cast %min3A_204 : i32 to index
        %swap3A_529 = arith.constant 0 : index
        %swap3A_530 = vector.load %arg9[%swap3A_528, %swap3A_529] : memref<2048x1024xf32, #tpu.memory_space<vmem>>, vector<1x1024xf32>
        tpu.vector_store %arg9[%swap3A_528, %swap3A_529], %get3A_527 {strides = array<i32>} : memref<2048x1024xf32, #tpu.memory_space<vmem>>, vector<1x1024xf32>,
      } else {
      }
      %mul3A_210 = arith.constant 32 : i32
      %mul3A_211 = arith.muli %arg0, %mul3A_210 : i32
      %add3A_212 = arith.constant 11 : i32
      %add3A_213 = arith.addi %mul3A_211, %add3A_212 : i32
      %get3A_214 = arith.index_cast %add3A_213 : i32 to index
      %get3A_215 = memref.load %arg2[%get3A_214] : memref<2048xi32, #tpu.memory_space<smem>>
      %jit3A_216 = arith.constant 0 : i32
      %jit3A_217 = arith.constant 2047 : i32
      %max3A_218 = arith.maxsi %jit3A_216, %get3A_215 : i32
      %min3A_219 = arith.minsi %jit3A_217, %max3A_218 : i32
      %gt3A_220 = arith.constant 11 : i32
      %gt3A_221 = arith.cmpi sgt, %get3A_4, %gt3A_220 : i32
      %convert_element_type3A_222 = arith.extui %gt3A_221 : i1 to i32
      %cond3A_223 = arith.constant 0 : i32
      %cond3A_224 = arith.cmpi ne, %convert_element_type3A_222, %cond3A_223 : i32
      scf.if %cond3A_224 {
        %get3A_525 = arith.constant 11 : index
        %get3A_526 = arith.constant 0 : index
        %get3A_527 = vector.load %arg10[%get3A_525, %get3A_526] : memref<32x1024xf32, #tpu.memory_space<vmem>>, vector<1x1024xf32>
        %swap3A_528 = arith.index_cast %min3A_219 : i32 to index
        %swap3A_529 = arith.constant 0 : index
        %swap3A_530 = vector.load %arg9[%swap3A_528, %swap3A_529] : memref<2048x1024xf32, #tpu.memory_space<vmem>>, vector<1x1024xf32>
        tpu.vector_store %arg9[%swap3A_528, %swap3A_529], %get3A_527 {strides = array<i32>} : memref<2048x1024xf32, #tpu.memory_space<vmem>>, vector<1x1024xf32>,
      } else {
      }
      %mul3A_225 = arith.constant 32 : i32
      %mul3A_226 = arith.muli %arg0, %mul3A_225 : i32
      %add3A_227 = arith.constant 12 : i32
      %add3A_228 = arith.addi %mul3A_226, %add3A_227 : i32
      %get3A_229 = arith.index_cast %add3A_228 : i32 to index
      %get3A_230 = memref.load %arg2[%get3A_229] : memref<2048xi32, #tpu.memory_space<smem>>
      %jit3A_231 = arith.constant 0 : i32
      %jit3A_232 = arith.constant 2047 : i32
      %max3A_233 = arith.maxsi %jit3A_231, %get3A_230 : i32
      %min3A_234 = arith.minsi %jit3A_232, %max3A_233 : i32
      %gt3A_235 = arith.constant 12 : i32
      %gt3A_236 = arith.cmpi sgt, %get3A_4, %gt3A_235 : i32
      %convert_element_type3A_237 = arith.extui %gt3A_236 : i1 to i32
      %cond3A_238 = arith.constant 0 : i32
      %cond3A_239 = arith.cmpi ne, %convert_element_type3A_237, %cond3A_238 : i32
      scf.if %cond3A_239 {
        %get3A_525 = arith.constant 12 : index
        %get3A_526 = arith.constant 0 : index
        %get3A_527 = vector.load %arg10[%get3A_525, %get3A_526] : memref<32x1024xf32, #tpu.memory_space<vmem>>, vector<1x1024xf32>
        %swap3A_528 = arith.index_cast %min3A_234 : i32 to index
        %swap3A_529 = arith.constant 0 : index
        %swap3A_530 = vector.load %arg9[%swap3A_528, %swap3A_529] : memref<2048x1024xf32, #tpu.memory_space<vmem>>, vector<1x1024xf32>
        tpu.vector_store %arg9[%swap3A_528, %swap3A_529], %get3A_527 {strides = array<i32>} : memref<2048x1024xf32, #tpu.memory_space<vmem>>, vector<1x1024xf32>,
      } else {
      }
      %mul3A_240 = arith.constant 32 : i32
      %mul3A_241 = arith.muli %arg0, %mul3A_240 : i32
      %add3A_242 = arith.constant 13 : i32
      %add3A_243 = arith.addi %mul3A_241, %add3A_242 : i32
      %get3A_244 = arith.index_cast %add3A_243 : i32 to index
      %get3A_245 = memref.load %arg2[%get3A_244] : memref<2048xi32, #tpu.memory_space<smem>>
      %jit3A_246 = arith.constant 0 : i32
      %jit3A_247 = arith.constant 2047 : i32
      %max3A_248 = arith.maxsi %jit3A_246, %get3A_245 : i32
      %min3A_249 = arith.minsi %jit3A_247, %max3A_248 : i32
      %gt3A_250 = arith.constant 13 : i32
      %gt3A_251 = arith.cmpi sgt, %get3A_4, %gt3A_250 : i32
      %convert_element_type3A_252 = arith.extui %gt3A_251 : i1 to i32
      %cond3A_253 = arith.constant 0 : i32
      %cond3A_254 = arith.cmpi ne, %convert_element_type3A_252, %cond3A_253 : i32
      scf.if %cond3A_254 {
        %get3A_525 = arith.constant 13 : index
        %get3A_526 = arith.constant 0 : index
        %get3A_527 = vector.load %arg10[%get3A_525, %get3A_526] : memref<32x1024xf32, #tpu.memory_space<vmem>>, vector<1x1024xf32>
        %swap3A_528 = arith.index_cast %min3A_249 : i32 to index
        %swap3A_529 = arith.constant 0 : index
        %swap3A_530 = vector.load %arg9[%swap3A_528, %swap3A_529] : memref<2048x1024xf32, #tpu.memory_space<vmem>>, vector<1x1024xf32>
        tpu.vector_store %arg9[%swap3A_528, %swap3A_529], %get3A_527 {strides = array<i32>} : memref<2048x1024xf32, #tpu.memory_space<vmem>>, vector<1x1024xf32>,
      } else {
      }
      %mul3A_255 = arith.constant 32 : i32
      %mul3A_256 = arith.muli %arg0, %mul3A_255 : i32
      %add3A_257 = arith.constant 14 : i32
      %add3A_258 = arith.addi %mul3A_256, %add3A_257 : i32
      %get3A_259 = arith.index_cast %add3A_258 : i32 to index
      %get3A_260 = memref.load %arg2[%get3A_259] : memref<2048xi32, #tpu.memory_space<smem>>
      %jit3A_261 = arith.constant 0 : i32
      %jit3A_262 = arith.constant 2047 : i32
      %max3A_263 = arith.maxsi %jit3A_261, %get3A_260 : i32
      %min3A_264 = arith.minsi %jit3A_262, %max3A_263 : i32
      %gt3A_265 = arith.constant 14 : i32
      %gt3A_266 = arith.cmpi sgt, %get3A_4, %gt3A_265 : i32
      %convert_element_type3A_267 = arith.extui %gt3A_266 : i1 to i32
      %cond3A_268 = arith.constant 0 : i32
      %cond3A_269 = arith.cmpi ne, %convert_element_type3A_267, %cond3A_268 : i32
      scf.if %cond3A_269 {
        %get3A_525 = arith.constant 14 : index
        %get3A_526 = arith.constant 0 : index
        %get3A_527 = vector.load %arg10[%get3A_525, %get3A_526] : memref<32x1024xf32, #tpu.memory_space<vmem>>, vector<1x1024xf32>
        %swap3A_528 = arith.index_cast %min3A_264 : i32 to index
        %swap3A_529 = arith.constant 0 : index
        %swap3A_530 = vector.load %arg9[%swap3A_528, %swap3A_529] : memref<2048x1024xf32, #tpu.memory_space<vmem>>, vector<1x1024xf32>
        tpu.vector_store %arg9[%swap3A_528, %swap3A_529], %get3A_527 {strides = array<i32>} : memref<2048x1024xf32, #tpu.memory_space<vmem>>, vector<1x1024xf32>,
      } else {
      }
      %mul3A_270 = arith.constant 32 : i32
      %mul3A_271 = arith.muli %arg0, %mul3A_270 : i32
      %add3A_272 = arith.constant 15 : i32
      %add3A_273 = arith.addi %mul3A_271, %add3A_272 : i32
      %get3A_274 = arith.index_cast %add3A_273 : i32 to index
      %get3A_275 = memref.load %arg2[%get3A_274] : memref<2048xi32, #tpu.memory_space<smem>>
      %jit3A_276 = arith.constant 0 : i32
      %jit3A_277 = arith.constant 2047 : i32
      %max3A_278 = arith.maxsi %jit3A_276, %get3A_275 : i32
      %min3A_279 = arith.minsi %jit3A_277, %max3A_278 : i32
      %gt3A_280 = arith.constant 15 : i32
      %gt3A_281 = arith.cmpi sgt, %get3A_4, %gt3A_280 : i32
      %convert_element_type3A_282 = arith.extui %gt3A_281 : i1 to i32
      %cond3A_283 = arith.constant 0 : i32
      %cond3A_284 = arith.cmpi ne, %convert_element_type3A_282, %cond3A_283 : i32
      scf.if %cond3A_284 {
        %get3A_525 = arith.constant 15 : index
        %get3A_526 = arith.constant 0 : index
        %get3A_527 = vector.load %arg10[%get3A_525, %get3A_526] : memref<32x1024xf32, #tpu.memory_space<vmem>>, vector<1x1024xf32>
        %swap3A_528 = arith.index_cast %min3A_279 : i32 to index
        %swap3A_529 = arith.constant 0 : index
        %swap3A_530 = vector.load %arg9[%swap3A_528, %swap3A_529] : memref<2048x1024xf32, #tpu.memory_space<vmem>>, vector<1x1024xf32>
        tpu.vector_store %arg9[%swap3A_528, %swap3A_529], %get3A_527 {strides = array<i32>} : memref<2048x1024xf32, #tpu.memory_space<vmem>>, vector<1x1024xf32>,
      } else {
      }
      %mul3A_285 = arith.constant 32 : i32
      %mul3A_286 = arith.muli %arg0, %mul3A_285 : i32
      %add3A_287 = arith.constant 16 : i32
      %add3A_288 = arith.addi %mul3A_286, %add3A_287 : i32
      %get3A_289 = arith.index_cast %add3A_288 : i32 to index
      %get3A_290 = memref.load %arg2[%get3A_289] : memref<2048xi32, #tpu.memory_space<smem>>
      %jit3A_291 = arith.constant 0 : i32
      %jit3A_292 = arith.constant 2047 : i32
      %max3A_293 = arith.maxsi %jit3A_291, %get3A_290 : i32
      %min3A_294 = arith.minsi %jit3A_292, %max3A_293 : i32
      %gt3A_295 = arith.constant 16 : i32
      %gt3A_296 = arith.cmpi sgt, %get3A_4, %gt3A_295 : i32
      %convert_element_type3A_297 = arith.extui %gt3A_296 : i1 to i32
      %cond3A_298 = arith.constant 0 : i32
      %cond3A_299 = arith.cmpi ne, %convert_element_type3A_297, %cond3A_298 : i32
      scf.if %cond3A_299 {
        %get3A_525 = arith.constant 16 : index
        %get3A_526 = arith.constant 0 : index
        %get3A_527 = vector.load %arg10[%get3A_525, %get3A_526] : memref<32x1024xf32, #tpu.memory_space<vmem>>, vector<1x1024xf32>
        %swap3A_528 = arith.index_cast %min3A_294 : i32 to index
        %swap3A_529 = arith.constant 0 : index
        %swap3A_530 = vector.load %arg9[%swap3A_528, %swap3A_529] : memref<2048x1024xf32, #tpu.memory_space<vmem>>, vector<1x1024xf32>
        tpu.vector_store %arg9[%swap3A_528, %swap3A_529], %get3A_527 {strides = array<i32>} : memref<2048x1024xf32, #tpu.memory_space<vmem>>, vector<1x1024xf32>,
      } else {
      }
      %mul3A_300 = arith.constant 32 : i32
      %mul3A_301 = arith.muli %arg0, %mul3A_300 : i32
      %add3A_302 = arith.constant 17 : i32
      %add3A_303 = arith.addi %mul3A_301, %add3A_302 : i32
      %get3A_304 = arith.index_cast %add3A_303 : i32 to index
      %get3A_305 = memref.load %arg2[%get3A_304] : memref<2048xi32, #tpu.memory_space<smem>>
      %jit3A_306 = arith.constant 0 : i32
      %jit3A_307 = arith.constant 2047 : i32
      %max3A_308 = arith.maxsi %jit3A_306, %get3A_305 : i32
      %min3A_309 = arith.minsi %jit3A_307, %max3A_308 : i32
      %gt3A_310 = arith.constant 17 : i32
      %gt3A_311 = arith.cmpi sgt, %get3A_4, %gt3A_310 : i32
      %convert_element_type3A_312 = arith.extui %gt3A_311 : i1 to i32
      %cond3A_313 = arith.constant 0 : i32
      %cond3A_314 = arith.cmpi ne, %convert_element_type3A_312, %cond3A_313 : i32
      scf.if %cond3A_314 {
        %get3A_525 = arith.constant 17 : index
        %get3A_526 = arith.constant 0 : index
        %get3A_527 = vector.load %arg10[%get3A_525, %get3A_526] : memref<32x1024xf32, #tpu.memory_space<vmem>>, vector<1x1024xf32>
        %swap3A_528 = arith.index_cast %min3A_309 : i32 to index
        %swap3A_529 = arith.constant 0 : index
        %swap3A_530 = vector.load %arg9[%swap3A_528, %swap3A_529] : memref<2048x1024xf32, #tpu.memory_space<vmem>>, vector<1x1024xf32>
        tpu.vector_store %arg9[%swap3A_528, %swap3A_529], %get3A_527 {strides = array<i32>} : memref<2048x1024xf32, #tpu.memory_space<vmem>>, vector<1x1024xf32>,
      } else {
      }
      %mul3A_315 = arith.constant 32 : i32
      %mul3A_316 = arith.muli %arg0, %mul3A_315 : i32
      %add3A_317 = arith.constant 18 : i32
      %add3A_318 = arith.addi %mul3A_316, %add3A_317 : i32
      %get3A_319 = arith.index_cast %add3A_318 : i32 to index
      %get3A_320 = memref.load %arg2[%get3A_319] : memref<2048xi32, #tpu.memory_space<smem>>
      %jit3A_321 = arith.constant 0 : i32
      %jit3A_322 = arith.constant 2047 : i32
      %max3A_323 = arith.maxsi %jit3A_321, %get3A_320 : i32
      %min3A_324 = arith.minsi %jit3A_322, %max3A_323 : i32
      %gt3A_325 = arith.constant 18 : i32
      %gt3A_326 = arith.cmpi sgt, %get3A_4, %gt3A_325 : i32
      %convert_element_type3A_327 = arith.extui %gt3A_326 : i1 to i32
      %cond3A_328 = arith.constant 0 : i32
      %cond3A_329 = arith.cmpi ne, %convert_element_type3A_327, %cond3A_328 : i32
      scf.if %cond3A_329 {
        %get3A_525 = arith.constant 18 : index
        %get3A_526 = arith.constant 0 : index
        %get3A_527 = vector.load %arg10[%get3A_525, %get3A_526] : memref<32x1024xf32, #tpu.memory_space<vmem>>, vector<1x1024xf32>
        %swap3A_528 = arith.index_cast %min3A_324 : i32 to index
        %swap3A_529 = arith.constant 0 : index
        %swap3A_530 = vector.load %arg9[%swap3A_528, %swap3A_529] : memref<2048x1024xf32, #tpu.memory_space<vmem>>, vector<1x1024xf32>
        tpu.vector_store %arg9[%swap3A_528, %swap3A_529], %get3A_527 {strides = array<i32>} : memref<2048x1024xf32, #tpu.memory_space<vmem>>, vector<1x1024xf32>,
      } else {
      }
      %mul3A_330 = arith.constant 32 : i32
      %mul3A_331 = arith.muli %arg0, %mul3A_330 : i32
      %add3A_332 = arith.constant 19 : i32
      %add3A_333 = arith.addi %mul3A_331, %add3A_332 : i32
      %get3A_334 = arith.index_cast %add3A_333 : i32 to index
      %get3A_335 = memref.load %arg2[%get3A_334] : memref<2048xi32, #tpu.memory_space<smem>>
      %jit3A_336 = arith.constant 0 : i32
      %jit3A_337 = arith.constant 2047 : i32
      %max3A_338 = arith.maxsi %jit3A_336, %get3A_335 : i32
      %min3A_339 = arith.minsi %jit3A_337, %max3A_338 : i32
      %gt3A_340 = arith.constant 19 : i32
      %gt3A_341 = arith.cmpi sgt, %get3A_4, %gt3A_340 : i32
      %convert_element_type3A_342 = arith.extui %gt3A_341 : i1 to i32
      %cond3A_343 = arith.constant 0 : i32
      %cond3A_344 = arith.cmpi ne, %convert_element_type3A_342, %cond3A_343 : i32
      scf.if %cond3A_344 {
        %get3A_525 = arith.constant 19 : index
        %get3A_526 = arith.constant 0 : index
        %get3A_527 = vector.load %arg10[%get3A_525, %get3A_526] : memref<32x1024xf32, #tpu.memory_space<vmem>>, vector<1x1024xf32>
        %swap3A_528 = arith.index_cast %min3A_339 : i32 to index
        %swap3A_529 = arith.constant 0 : index
        %swap3A_530 = vector.load %arg9[%swap3A_528, %swap3A_529] : memref<2048x1024xf32, #tpu.memory_space<vmem>>, vector<1x1024xf32>
        tpu.vector_store %arg9[%swap3A_528, %swap3A_529], %get3A_527 {strides = array<i32>} : memref<2048x1024xf32, #tpu.memory_space<vmem>>, vector<1x1024xf32>,
      } else {
      }
      %mul3A_345 = arith.constant 32 : i32
      %mul3A_346 = arith.muli %arg0, %mul3A_345 : i32
      %add3A_347 = arith.constant 20 : i32
      %add3A_348 = arith.addi %mul3A_346, %add3A_347 : i32
      %get3A_349 = arith.index_cast %add3A_348 : i32 to index
      %get3A_350 = memref.load %arg2[%get3A_349] : memref<2048xi32, #tpu.memory_space<smem>>
      %jit3A_351 = arith.constant 0 : i32
      %jit3A_352 = arith.constant 2047 : i32
      %max3A_353 = arith.maxsi %jit3A_351, %get3A_350 : i32
      %min3A_354 = arith.minsi %jit3A_352, %max3A_353 : i32
      %gt3A_355 = arith.constant 20 : i32
      %gt3A_356 = arith.cmpi sgt, %get3A_4, %gt3A_355 : i32
      %convert_element_type3A_357 = arith.extui %gt3A_356 : i1 to i32
      %cond3A_358 = arith.constant 0 : i32
      %cond3A_359 = arith.cmpi ne, %convert_element_type3A_357, %cond3A_358 : i32
      scf.if %cond3A_359 {
        %get3A_525 = arith.constant 20 : index
        %get3A_526 = arith.constant 0 : index
        %get3A_527 = vector.load %arg10[%get3A_525, %get3A_526] : memref<32x1024xf32, #tpu.memory_space<vmem>>, vector<1x1024xf32>
        %swap3A_528 = arith.index_cast %min3A_354 : i32 to index
        %swap3A_529 = arith.constant 0 : index
        %swap3A_530 = vector.load %arg9[%swap3A_528, %swap3A_529] : memref<2048x1024xf32, #tpu.memory_space<vmem>>, vector<1x1024xf32>
        tpu.vector_store %arg9[%swap3A_528, %swap3A_529], %get3A_527 {strides = array<i32>} : memref<2048x1024xf32, #tpu.memory_space<vmem>>, vector<1x1024xf32>,
      } else {
      }
      %mul3A_360 = arith.constant 32 : i32
      %mul3A_361 = arith.muli %arg0, %mul3A_360 : i32
      %add3A_362 = arith.constant 21 : i32
      %add3A_363 = arith.addi %mul3A_361, %add3A_362 : i32
      %get3A_364 = arith.index_cast %add3A_363 : i32 to index
      %get3A_365 = memref.load %arg2[%get3A_364] : memref<2048xi32, #tpu.memory_space<smem>>
      %jit3A_366 = arith.constant 0 : i32
      %jit3A_367 = arith.constant 2047 : i32
      %max3A_368 = arith.maxsi %jit3A_366, %get3A_365 : i32
      %min3A_369 = arith.minsi %jit3A_367, %max3A_368 : i32
      %gt3A_370 = arith.constant 21 : i32
      %gt3A_371 = arith.cmpi sgt, %get3A_4, %gt3A_370 : i32
      %convert_element_type3A_372 = arith.extui %gt3A_371 : i1 to i32
      %cond3A_373 = arith.constant 0 : i32
      %cond3A_374 = arith.cmpi ne, %convert_element_type3A_372, %cond3A_373 : i32
      scf.if %cond3A_374 {
        %get3A_525 = arith.constant 21 : index
        %get3A_526 = arith.constant 0 : index
        %get3A_527 = vector.load %arg10[%get3A_525, %get3A_526] : memref<32x1024xf32, #tpu.memory_space<vmem>>, vector<1x1024xf32>
        %swap3A_528 = arith.index_cast %min3A_369 : i32 to index
        %swap3A_529 = arith.constant 0 : index
        %swap3A_530 = vector.load %arg9[%swap3A_528, %swap3A_529] : memref<2048x1024xf32, #tpu.memory_space<vmem>>, vector<1x1024xf32>
        tpu.vector_store %arg9[%swap3A_528, %swap3A_529], %get3A_527 {strides = array<i32>} : memref<2048x1024xf32, #tpu.memory_space<vmem>>, vector<1x1024xf32>,
      } else {
      }
      %mul3A_375 = arith.constant 32 : i32
      %mul3A_376 = arith.muli %arg0, %mul3A_375 : i32
      %add3A_377 = arith.constant 22 : i32
      %add3A_378 = arith.addi %mul3A_376, %add3A_377 : i32
      %get3A_379 = arith.index_cast %add3A_378 : i32 to index
      %get3A_380 = memref.load %arg2[%get3A_379] : memref<2048xi32, #tpu.memory_space<smem>>
      %jit3A_381 = arith.constant 0 : i32
      %jit3A_382 = arith.constant 2047 : i32
      %max3A_383 = arith.maxsi %jit3A_381, %get3A_380 : i32
      %min3A_384 = arith.minsi %jit3A_382, %max3A_383 : i32
      %gt3A_385 = arith.constant 22 : i32
      %gt3A_386 = arith.cmpi sgt, %get3A_4, %gt3A_385 : i32
      %convert_element_type3A_387 = arith.extui %gt3A_386 : i1 to i32
      %cond3A_388 = arith.constant 0 : i32
      %cond3A_389 = arith.cmpi ne, %convert_element_type3A_387, %cond3A_388 : i32
      scf.if %cond3A_389 {
        %get3A_525 = arith.constant 22 : index
        %get3A_526 = arith.constant 0 : index
        %get3A_527 = vector.load %arg10[%get3A_525, %get3A_526] : memref<32x1024xf32, #tpu.memory_space<vmem>>, vector<1x1024xf32>
        %swap3A_528 = arith.index_cast %min3A_384 : i32 to index
        %swap3A_529 = arith.constant 0 : index
        %swap3A_530 = vector.load %arg9[%swap3A_528, %swap3A_529] : memref<2048x1024xf32, #tpu.memory_space<vmem>>, vector<1x1024xf32>
        tpu.vector_store %arg9[%swap3A_528, %swap3A_529], %get3A_527 {strides = array<i32>} : memref<2048x1024xf32, #tpu.memory_space<vmem>>, vector<1x1024xf32>,
      } else {
      }
      %mul3A_390 = arith.constant 32 : i32
      %mul3A_391 = arith.muli %arg0, %mul3A_390 : i32
      %add3A_392 = arith.constant 23 : i32
      %add3A_393 = arith.addi %mul3A_391, %add3A_392 : i32
      %get3A_394 = arith.index_cast %add3A_393 : i32 to index
      %get3A_395 = memref.load %arg2[%get3A_394] : memref<2048xi32, #tpu.memory_space<smem>>
      %jit3A_396 = arith.constant 0 : i32
      %jit3A_397 = arith.constant 2047 : i32
      %max3A_398 = arith.maxsi %jit3A_396, %get3A_395 : i32
      %min3A_399 = arith.minsi %jit3A_397, %max3A_398 : i32
      %gt3A_400 = arith.constant 23 : i32
      %gt3A_401 = arith.cmpi sgt, %get3A_4, %gt3A_400 : i32
      %convert_element_type3A_402 = arith.extui %gt3A_401 : i1 to i32
      %cond3A_403 = arith.constant 0 : i32
      %cond3A_404 = arith.cmpi ne, %convert_element_type3A_402, %cond3A_403 : i32
      scf.if %cond3A_404 {
        %get3A_525 = arith.constant 23 : index
        %get3A_526 = arith.constant 0 : index
        %get3A_527 = vector.load %arg10[%get3A_525, %get3A_526] : memref<32x1024xf32, #tpu.memory_space<vmem>>, vector<1x1024xf32>
        %swap3A_528 = arith.index_cast %min3A_399 : i32 to index
        %swap3A_529 = arith.constant 0 : index
        %swap3A_530 = vector.load %arg9[%swap3A_528, %swap3A_529] : memref<2048x1024xf32, #tpu.memory_space<vmem>>, vector<1x1024xf32>
        tpu.vector_store %arg9[%swap3A_528, %swap3A_529], %get3A_527 {strides = array<i32>} : memref<2048x1024xf32, #tpu.memory_space<vmem>>, vector<1x1024xf32>,
      } else {
      }
      %mul3A_405 = arith.constant 32 : i32
      %mul3A_406 = arith.muli %arg0, %mul3A_405 : i32
      %add3A_407 = arith.constant 24 : i32
      %add3A_408 = arith.addi %mul3A_406, %add3A_407 : i32
      %get3A_409 = arith.index_cast %add3A_408 : i32 to index
      %get3A_410 = memref.load %arg2[%get3A_409] : memref<2048xi32, #tpu.memory_space<smem>>
      %jit3A_411 = arith.constant 0 : i32
      %jit3A_412 = arith.constant 2047 : i32
      %max3A_413 = arith.maxsi %jit3A_411, %get3A_410 : i32
      %min3A_414 = arith.minsi %jit3A_412, %max3A_413 : i32
      %gt3A_415 = arith.constant 24 : i32
      %gt3A_416 = arith.cmpi sgt, %get3A_4, %gt3A_415 : i32
      %convert_element_type3A_417 = arith.extui %gt3A_416 : i1 to i32
      %cond3A_418 = arith.constant 0 : i32
      %cond3A_419 = arith.cmpi ne, %convert_element_type3A_417, %cond3A_418 : i32
      scf.if %cond3A_419 {
        %get3A_525 = arith.constant 24 : index
        %get3A_526 = arith.constant 0 : index
        %get3A_527 = vector.load %arg10[%get3A_525, %get3A_526] : memref<32x1024xf32, #tpu.memory_space<vmem>>, vector<1x1024xf32>
        %swap3A_528 = arith.index_cast %min3A_414 : i32 to index
        %swap3A_529 = arith.constant 0 : index
        %swap3A_530 = vector.load %arg9[%swap3A_528, %swap3A_529] : memref<2048x1024xf32, #tpu.memory_space<vmem>>, vector<1x1024xf32>
        tpu.vector_store %arg9[%swap3A_528, %swap3A_529], %get3A_527 {strides = array<i32>} : memref<2048x1024xf32, #tpu.memory_space<vmem>>, vector<1x1024xf32>,
      } else {
      }
      %mul3A_420 = arith.constant 32 : i32
      %mul3A_421 = arith.muli %arg0, %mul3A_420 : i32
      %add3A_422 = arith.constant 25 : i32
      %add3A_423 = arith.addi %mul3A_421, %add3A_422 : i32
      %get3A_424 = arith.index_cast %add3A_423 : i32 to index
      %get3A_425 = memref.load %arg2[%get3A_424] : memref<2048xi32, #tpu.memory_space<smem>>
      %jit3A_426 = arith.constant 0 : i32
      %jit3A_427 = arith.constant 2047 : i32
      %max3A_428 = arith.maxsi %jit3A_426, %get3A_425 : i32
      %min3A_429 = arith.minsi %jit3A_427, %max3A_428 : i32
      %gt3A_430 = arith.constant 25 : i32
      %gt3A_431 = arith.cmpi sgt, %get3A_4, %gt3A_430 : i32
      %convert_element_type3A_432 = arith.extui %gt3A_431 : i1 to i32
      %cond3A_433 = arith.constant 0 : i32
      %cond3A_434 = arith.cmpi ne, %convert_element_type3A_432, %cond3A_433 : i32
      scf.if %cond3A_434 {
        %get3A_525 = arith.constant 25 : index
        %get3A_526 = arith.constant 0 : index
        %get3A_527 = vector.load %arg10[%get3A_525, %get3A_526] : memref<32x1024xf32, #tpu.memory_space<vmem>>, vector<1x1024xf32>
        %swap3A_528 = arith.index_cast %min3A_429 : i32 to index
        %swap3A_529 = arith.constant 0 : index
        %swap3A_530 = vector.load %arg9[%swap3A_528, %swap3A_529] : memref<2048x1024xf32, #tpu.memory_space<vmem>>, vector<1x1024xf32>
        tpu.vector_store %arg9[%swap3A_528, %swap3A_529], %get3A_527 {strides = array<i32>} : memref<2048x1024xf32, #tpu.memory_space<vmem>>, vector<1x1024xf32>,
      } else {
      }
      %mul3A_435 = arith.constant 32 : i32
      %mul3A_436 = arith.muli %arg0, %mul3A_435 : i32
      %add3A_437 = arith.constant 26 : i32
      %add3A_438 = arith.addi %mul3A_436, %add3A_437 : i32
      %get3A_439 = arith.index_cast %add3A_438 : i32 to index
      %get3A_440 = memref.load %arg2[%get3A_439] : memref<2048xi32, #tpu.memory_space<smem>>
      %jit3A_441 = arith.constant 0 : i32
      %jit3A_442 = arith.constant 2047 : i32
      %max3A_443 = arith.maxsi %jit3A_441, %get3A_440 : i32
      %min3A_444 = arith.minsi %jit3A_442, %max3A_443 : i32
      %gt3A_445 = arith.constant 26 : i32
      %gt3A_446 = arith.cmpi sgt, %get3A_4, %gt3A_445 : i32
      %convert_element_type3A_447 = arith.extui %gt3A_446 : i1 to i32
      %cond3A_448 = arith.constant 0 : i32
      %cond3A_449 = arith.cmpi ne, %convert_element_type3A_447, %cond3A_448 : i32
      scf.if %cond3A_449 {
        %get3A_525 = arith.constant 26 : index
        %get3A_526 = arith.constant 0 : index
        %get3A_527 = vector.load %arg10[%get3A_525, %get3A_526] : memref<32x1024xf32, #tpu.memory_space<vmem>>, vector<1x1024xf32>
        %swap3A_528 = arith.index_cast %min3A_444 : i32 to index
        %swap3A_529 = arith.constant 0 : index
        %swap3A_530 = vector.load %arg9[%swap3A_528, %swap3A_529] : memref<2048x1024xf32, #tpu.memory_space<vmem>>, vector<1x1024xf32>
        tpu.vector_store %arg9[%swap3A_528, %swap3A_529], %get3A_527 {strides = array<i32>} : memref<2048x1024xf32, #tpu.memory_space<vmem>>, vector<1x1024xf32>,
      } else {
      }
      %mul3A_450 = arith.constant 32 : i32
      %mul3A_451 = arith.muli %arg0, %mul3A_450 : i32
      %add3A_452 = arith.constant 27 : i32
      %add3A_453 = arith.addi %mul3A_451, %add3A_452 : i32
      %get3A_454 = arith.index_cast %add3A_453 : i32 to index
      %get3A_455 = memref.load %arg2[%get3A_454] : memref<2048xi32, #tpu.memory_space<smem>>
      %jit3A_456 = arith.constant 0 : i32
      %jit3A_457 = arith.constant 2047 : i32
      %max3A_458 = arith.maxsi %jit3A_456, %get3A_455 : i32
      %min3A_459 = arith.minsi %jit3A_457, %max3A_458 : i32
      %gt3A_460 = arith.constant 27 : i32
      %gt3A_461 = arith.cmpi sgt, %get3A_4, %gt3A_460 : i32
      %convert_element_type3A_462 = arith.extui %gt3A_461 : i1 to i32
      %cond3A_463 = arith.constant 0 : i32
      %cond3A_464 = arith.cmpi ne, %convert_element_type3A_462, %cond3A_463 : i32
      scf.if %cond3A_464 {
        %get3A_525 = arith.constant 27 : index
        %get3A_526 = arith.constant 0 : index
        %get3A_527 = vector.load %arg10[%get3A_525, %get3A_526] : memref<32x1024xf32, #tpu.memory_space<vmem>>, vector<1x1024xf32>
        %swap3A_528 = arith.index_cast %min3A_459 : i32 to index
        %swap3A_529 = arith.constant 0 : index
        %swap3A_530 = vector.load %arg9[%swap3A_528, %swap3A_529] : memref<2048x1024xf32, #tpu.memory_space<vmem>>, vector<1x1024xf32>
        tpu.vector_store %arg9[%swap3A_528, %swap3A_529], %get3A_527 {strides = array<i32>} : memref<2048x1024xf32, #tpu.memory_space<vmem>>, vector<1x1024xf32>,
      } else {
      }
      %mul3A_465 = arith.constant 32 : i32
      %mul3A_466 = arith.muli %arg0, %mul3A_465 : i32
      %add3A_467 = arith.constant 28 : i32
      %add3A_468 = arith.addi %mul3A_466, %add3A_467 : i32
      %get3A_469 = arith.index_cast %add3A_468 : i32 to index
      %get3A_470 = memref.load %arg2[%get3A_469] : memref<2048xi32, #tpu.memory_space<smem>>
      %jit3A_471 = arith.constant 0 : i32
      %jit3A_472 = arith.constant 2047 : i32
      %max3A_473 = arith.maxsi %jit3A_471, %get3A_470 : i32
      %min3A_474 = arith.minsi %jit3A_472, %max3A_473 : i32
      %gt3A_475 = arith.constant 28 : i32
      %gt3A_476 = arith.cmpi sgt, %get3A_4, %gt3A_475 : i32
      %convert_element_type3A_477 = arith.extui %gt3A_476 : i1 to i32
      %cond3A_478 = arith.constant 0 : i32
      %cond3A_479 = arith.cmpi ne, %convert_element_type3A_477, %cond3A_478 : i32
      scf.if %cond3A_479 {
        %get3A_525 = arith.constant 28 : index
        %get3A_526 = arith.constant 0 : index
        %get3A_527 = vector.load %arg10[%get3A_525, %get3A_526] : memref<32x1024xf32, #tpu.memory_space<vmem>>, vector<1x1024xf32>
        %swap3A_528 = arith.index_cast %min3A_474 : i32 to index
        %swap3A_529 = arith.constant 0 : index
        %swap3A_530 = vector.load %arg9[%swap3A_528, %swap3A_529] : memref<2048x1024xf32, #tpu.memory_space<vmem>>, vector<1x1024xf32>
        tpu.vector_store %arg9[%swap3A_528, %swap3A_529], %get3A_527 {strides = array<i32>} : memref<2048x1024xf32, #tpu.memory_space<vmem>>, vector<1x1024xf32>,
      } else {
      }
      %mul3A_480 = arith.constant 32 : i32
      %mul3A_481 = arith.muli %arg0, %mul3A_480 : i32
      %add3A_482 = arith.constant 29 : i32
      %add3A_483 = arith.addi %mul3A_481, %add3A_482 : i32
      %get3A_484 = arith.index_cast %add3A_483 : i32 to index
      %get3A_485 = memref.load %arg2[%get3A_484] : memref<2048xi32, #tpu.memory_space<smem>>
      %jit3A_486 = arith.constant 0 : i32
      %jit3A_487 = arith.constant 2047 : i32
      %max3A_488 = arith.maxsi %jit3A_486, %get3A_485 : i32
      %min3A_489 = arith.minsi %jit3A_487, %max3A_488 : i32
      %gt3A_490 = arith.constant 29 : i32
      %gt3A_491 = arith.cmpi sgt, %get3A_4, %gt3A_490 : i32
      %convert_element_type3A_492 = arith.extui %gt3A_491 : i1 to i32
      %cond3A_493 = arith.constant 0 : i32
      %cond3A_494 = arith.cmpi ne, %convert_element_type3A_492, %cond3A_493 : i32
      scf.if %cond3A_494 {
        %get3A_525 = arith.constant 29 : index
        %get3A_526 = arith.constant 0 : index
        %get3A_527 = vector.load %arg10[%get3A_525, %get3A_526] : memref<32x1024xf32, #tpu.memory_space<vmem>>, vector<1x1024xf32>
        %swap3A_528 = arith.index_cast %min3A_489 : i32 to index
        %swap3A_529 = arith.constant 0 : index
        %swap3A_530 = vector.load %arg9[%swap3A_528, %swap3A_529] : memref<2048x1024xf32, #tpu.memory_space<vmem>>, vector<1x1024xf32>
        tpu.vector_store %arg9[%swap3A_528, %swap3A_529], %get3A_527 {strides = array<i32>} : memref<2048x1024xf32, #tpu.memory_space<vmem>>, vector<1x1024xf32>,
      } else {
      }
      %mul3A_495 = arith.constant 32 : i32
      %mul3A_496 = arith.muli %arg0, %mul3A_495 : i32
      %add3A_497 = arith.constant 30 : i32
      %add3A_498 = arith.addi %mul3A_496, %add3A_497 : i32
      %get3A_499 = arith.index_cast %add3A_498 : i32 to index
      %get3A_500 = memref.load %arg2[%get3A_499] : memref<2048xi32, #tpu.memory_space<smem>>
      %jit3A_501 = arith.constant 0 : i32
      %jit3A_502 = arith.constant 2047 : i32
      %max3A_503 = arith.maxsi %jit3A_501, %get3A_500 : i32
      %min3A_504 = arith.minsi %jit3A_502, %max3A_503 : i32
      %gt3A_505 = arith.constant 30 : i32
      %gt3A_506 = arith.cmpi sgt, %get3A_4, %gt3A_505 : i32
      %convert_element_type3A_507 = arith.extui %gt3A_506 : i1 to i32
      %cond3A_508 = arith.constant 0 : i32
      %cond3A_509 = arith.cmpi ne, %convert_element_type3A_507, %cond3A_508 : i32
      scf.if %cond3A_509 {
        %get3A_525 = arith.constant 30 : index
        %get3A_526 = arith.constant 0 : index
        %get3A_527 = vector.load %arg10[%get3A_525, %get3A_526] : memref<32x1024xf32, #tpu.memory_space<vmem>>, vector<1x1024xf32>
        %swap3A_528 = arith.index_cast %min3A_504 : i32 to index
        %swap3A_529 = arith.constant 0 : index
        %swap3A_530 = vector.load %arg9[%swap3A_528, %swap3A_529] : memref<2048x1024xf32, #tpu.memory_space<vmem>>, vector<1x1024xf32>
        tpu.vector_store %arg9[%swap3A_528, %swap3A_529], %get3A_527 {strides = array<i32>} : memref<2048x1024xf32, #tpu.memory_space<vmem>>, vector<1x1024xf32>,
      } else {
      }
      %mul3A_510 = arith.constant 32 : i32
      %mul3A_511 = arith.muli %arg0, %mul3A_510 : i32
      %add3A_512 = arith.constant 31 : i32
      %add3A_513 = arith.addi %mul3A_511, %add3A_512 : i32
      %get3A_514 = arith.index_cast %add3A_513 : i32 to index
      %get3A_515 = memref.load %arg2[%get3A_514] : memref<2048xi32, #tpu.memory_space<smem>>
      %jit3A_516 = arith.constant 0 : i32
      %jit3A_517 = arith.constant 2047 : i32
      %max3A_518 = arith.maxsi %jit3A_516, %get3A_515 : i32
      %min3A_519 = arith.minsi %jit3A_517, %max3A_518 : i32
      %gt3A_520 = arith.constant 31 : i32
      %gt3A_521 = arith.cmpi sgt, %get3A_4, %gt3A_520 : i32
      %convert_element_type3A_522 = arith.extui %gt3A_521 : i1 to i32
      %cond3A_523 = arith.constant 0 : i32
      %cond3A_524 = arith.cmpi ne, %convert_element_type3A_522, %cond3A_523 : i32
      scf.if %cond3A_524 {
        %get3A_525 = arith.constant 31 : index
        %get3A_526 = arith.constant 0 : index
        %get3A_527 = vector.load %arg10[%get3A_525, %get3A_526] : memref<32x1024xf32, #tpu.memory_space<vmem>>, vector<1x1024xf32>
        %swap3A_528 = arith.index_cast %min3A_519 : i32 to index
        %swap3A_529 = arith.constant 0 : index
        %swap3A_530 = vector.load %arg9[%swap3A_528, %swap3A_529] : memref<2048x1024xf32, #tpu.memory_space<vmem>>, vector<1x1024xf32>
        tpu.vector_store %arg9[%swap3A_528, %swap3A_529], %get3A_527 {strides = array<i32>} : memref<2048x1024xf32, #tpu.memory_space<vmem>>, vector<1x1024xf32>,
      } else {
      }
    } else {
    }
    return
  }
  func.func @transform_0(%arg0: i32, %arg1: i32) -> i32 {
    %c0_i32 = arith.constant 0 : i32
    %c0_i32_0 = arith.constant 0 : i32
    return %c0_i32 : i32
  }
  func.func @transform_1(%arg0: i32, %arg1: i32) -> i32 {
    %c0_i32 = arith.constant 0 : i32
    %c0_i32_0 = arith.constant 0 : i32
    return %c0_i32 : i32
  }
  func.func @transform_2(%arg0: i32, %arg1: i32) -> (i32, i32) {
    %c0_i32 = arith.constant 0 : i32
    %c0_i32_0 = arith.constant 0 : i32
    %c0_i32_1 = arith.constant 0 : i32
    return %c0_i32, %c0_i32_0 : i32, i32
  }
  func.func @transform_3(%arg0: i32, %arg1: i32) -> (i32, i32, i32) {
    %c0_i32 = arith.constant 0 : i32
    %c0_i32_0 = arith.constant 0 : i32
    return %arg0, %c0_i32, %arg1 : i32, i32, i32
  }
  func.func @transform_4(%arg0: i32, %arg1: i32) -> (i32, i32, i32) {
    %c0_i32 = arith.constant 0 : i32
    %c0_i32_0 = arith.constant 0 : i32
    return %arg0, %c0_i32, %arg1 : i32, i32, i32
  }
  func.func @transform_5(%arg0: i32, %arg1: i32) -> (i32, i32, i32) {
    %c0_i32 = arith.constant 0 : i32
    %c0_i32_0 = arith.constant 0 : i32
    return %arg0, %arg1, %c0_i32 : i32, i32, i32
  }
  func.func @transform_6(%arg0: i32, %arg1: i32) -> (i32, i32, i32) {
    %c0_i32 = arith.constant 0 : i32
    %c0_i32_0 = arith.constant 0 : i32
    %c0_i32_1 = arith.constant 0 : i32
    return %arg0, %c0_i32, %c0_i32_0 : i32, i32, i32
  }
  func.func @transform_7(%arg0: i32, %arg1: i32) -> (i32, i32) {
    %c0_i32 = arith.constant 0 : i32
    %c0_i32_0 = arith.constant 0 : i32
    %c0_i32_1 = arith.constant 0 : i32
    return %c0_i32, %c0_i32_0 : i32, i32
  }
}

</mosaic_0001>

<sc_bundles>
// kernel: kernel.5.cloned.1.call-start
scs
__scs_entry_jumppad:
0x0: {  	(pc) =	sbr.rel $0x88, $3  }
0x1: {  	(tag) =	ssettag $0x0;
	lr =	simm.s32 $0x1  }
0x2: {  	[smem:$0x3F9B] =	sst lr;
	_ =	strace $0xD0000000  }
0x3: {  	_ = 	snop  }
0x4: {  	_ = 	snop  }
0x5: {  	_ = 	snop  }
0x6: {  	_ = 	snop  }
0x7: {  	_ = 	snop  }
__scs_overlays_trampoline_lowered:
0x8: {  	[smem:$0x3FAA] =	sst s0  }
0x9: {  	[smem:$0x3FAB] =	sst s1  }
0xa: {  	[smem:$0x3FAC] =	sst s2  }
0xb: {  	[smem:$0x3FAD] =	sst s3  }
0xc: {  	[smem:$0x3FAE] =	sst s4  }
0xd: {  	[smem:$0x3FAF] =	sst s5  }
0xe: {  	[smem:$0x3FB0] =	sst s6  }
0xf: {  	[smem:$0x3FB1] =	sst s7  }
0x10: {  	[smem:$0x3FB2] =	sst s8  }
0x11: {  	[smem:$0x3FB3] =	sst s9;
	s0 =	simm.s32 @!p0 $0x0  }
0x12: {  	s1 =	sld [smem:$0x3F99];
	s0 =	simm.s32 @p0 $0x1  }
0x13: {  	[smem:$0x3FB4] =	sst s0;
	s0 =	simm.s32 @!p1 $0x0  }
0x14: {  	s2 =	sld [smem:$0x3F98];
	s0 =	simm.s32 @p1 $0x1  }
0x15: {  	[smem:$0x3FB5] =	sst s0;
	s0 =	simm.s32 @!p2 $0x0  }
0x16: {  	s3 =	sld [smem:$0x3FDB];
	s0 =	simm.s32 @p2 $0x1  }
0x17: {  	s4 =	simm.s32 $0x1BF5;
	[smem:$0x3FB7] =	sst s0  }
0x18: {  	s0 =	sld [smem:$0x3F9A];
	_ =	swait.ge [sflag:s4], $0x0  }
0x19: {  	s7 =	sld [smem:$0x3F9B]  }
0x1a: {  	s8 =	sadd.s32 $0xFFFFE003, lr  }
0x1b: {  	s9 =	sadd.s32 $0xFFFFFEF7, lr;
	s5 =	simm.s32 $0xFFFFFFFF;
	p2 =	slt.u32 s8, $0xFFFFF086  }
0x1c: {  	p1 =	slt.u32 s9, $0xF7A;
	s5 =	simm.s32 @!p2 $0x0  }
0x1d: {  	s5 =	simm.s32 @p1 $0x1;
	p0 =	seq.s32 s7, s2  }
0x1e: {  	s7 =	smul.u32 @!p0 $0xF7A, s2;
	p2 =	seq.s32 @!p0 s5, $0x0  }
0x1f: {  	s9 =	smul.u32 $0xF7A, s1;
	s8 =	simm.s32 @!p0 $0x1BF5;
	p2 =	por !p2, p0  }
0x20: {  	[sflag:s8] =	ssyncset.s32 @!p0 $0xFFFFF086;
	s6 =	sadd.s32 @!p0 s3, s7;
	s7 =	simm.s32 @!p0 $0x108  }
0x21: {  	s3 =	sadd.s32 s3, s9;
	s6 =	sadd.s32 @!p0 $0x88, s6;
	s7 =	simm.s32 @p2 $0x1082  }
0x22: {  	[simem:s7], [sflag:s8] =	dma.local @!p0 [hbm:s6], $0xF7A  }
0x23: {  	s9 =	sor.u32 $0xD0000000, s2;
	s6 =	simm.s32 $0x108;
	_ =	swait.ge @!p0 [sflag:s8], $0x0  }
0x24: {  	s3 =	sadd.s32 $0x88, s3;
	s6 =	simm.s32 @!p1 $0x1082;
	[sflag:s4] =	ssyncset.s32 $0xFFFFF086  }
0x25: {  	[simem:s6], [sflag:s4] =	dma.local [hbm:s3], $0xF7A  }
0x26: {  	[smem:$0x3F9B] =	sst s1;
	(tag) =	ssettag s2;
	_ =	strace s9  }
0x27: {  	s1 =	sld [smem:$0x3FAB]  }
0x28: {  	s2 =	sld [smem:$0x3FAC]  }
0x29: {  	s4 =	sld [smem:$0x3FAE]  }
0x2a: {  	p0 =	seq.s32 s5, $0x0;
	s5 =	sld [smem:$0x3FAF]  }
0x2b: {  	s6 =	sld [smem:$0x3FB0]  }
0x2c: {  	s7 =	sld [smem:$0x3FB1]  }
0x2d: {  	s3 =	simm.s32 $0x108;
	s8 =	sld [smem:$0x3FB2]  }
0x2e: {  	s3 =	simm.s32 @!p0 $0x1082;
	s9 =	sld [smem:$0x3FB3]  }
0x2f: {  	lr =	sadd.s32 s0, s3;
	s0 =	sld [smem:$0x3FAA]  }
0x30: {  	s3 =	sld [smem:$0x3FAD]  }
0x31: {  	[smem:$0x3FB6] =	sst s10  }
0x32: {  	s10 =	sld [smem:$0x3FB4];
	_ =	sdelay $0x3  }
0x33: {  	p0 =	seq.s32 s10, $0x1;
	s10 =	sld [smem:$0x3FB6];
	_ =	sdelay $0x3  }
0x34: {  	[smem:$0x3FB6] =	sst s10  }
0x35: {  	s10 =	sld [smem:$0x3FB5];
	_ =	sdelay $0x3  }
0x36: {  	p1 =	seq.s32 s10, $0x1;
	s10 =	sld [smem:$0x3FB6];
	_ =	sdelay $0x3  }
0x37: {  	[smem:$0x3FB6] =	sst s10  }
0x38: {  	s10 =	sld [smem:$0x3FB7]  }
0x39: {  	_ = 	snop;
	(pc) =	sbr.ind lr, $3  }
0x3a: {  	_ = 	snop  }
0x3b: {  	_ = 	snop  }
0x3c: {  	p2 =	seq.s32 s10, $0x1;
	s10 =	sld [smem:$0x3FB6]  }
0x3d: {  	_ =	shalt  }
0x3e: {  	_ =	shalt  }
0x3f: {  	_ =	shalt  }
0x40: {  	_ =	shalt  }
0x41: {  	_ =	shalt  }
0x42: {  	_ =	shalt  }
0x43: {  	_ =	shalt  }
0x44: {  	_ =	shalt  }
0x45: {  	_ =	shalt  }
0x46: {  	_ =	shalt  }
0x47: {  	_ =	shalt  }
0x48: {  	_ =	shalt  }
0x49: {  	_ =	shalt  }
0x4a: {  	_ =	shalt  }
0x4b: {  	_ =	shalt  }
0x4c: {  	_ =	shalt  }
0x4d: {  	_ =	shalt  }
0x4e: {  	_ =	shalt  }
0x4f: {  	_ =	shalt  }
0x50: {  	_ =	shalt  }
0x51: {  	_ =	shalt  }
0x52: {  	_ =	shalt  }
0x53: {  	_ =	shalt  }
0x54: {  	_ =	shalt  }
0x55: {  	_ =	shalt  }
0x56: {  	_ =	shalt  }
0x57: {  	_ =	shalt  }
0x58: {  	_ =	shalt  }
0x59: {  	_ =	shalt  }
0x5a: {  	_ =	shalt  }
0x5b: {  	_ =	shalt  }
0x5c: {  	_ =	shalt  }
0x5d: {  	_ =	shalt  }
0x5e: {  	_ =	shalt  }
0x5f: {  	_ =	shalt  }
0x60: {  	_ =	shalt  }
0x61: {  	_ =	shalt  }
0x62: {  	_ =	shalt  }
0x63: {  	_ =	shalt  }
0x64: {  	_ =	shalt  }
0x65: {  	_ =	shalt  }
0x66: {  	_ =	shalt  }
0x67: {  	_ =	shalt  }
0x68: {  	_ =	shalt  }
0x69: {  	_ =	shalt  }
0x6a: {  	_ =	shalt  }
0x6b: {  	_ =	shalt  }
0x6c: {  	_ =	shalt  }
0x6d: {  	_ =	shalt  }
0x6e: {  	_ =	shalt  }
0x6f: {  	_ =	shalt  }
0x70: {  	_ =	shalt  }
0x71: {  	_ =	shalt  }
0x72: {  	_ =	shalt  }
0x73: {  	_ =	shalt  }
0x74: {  	_ =	shalt  }
0x75: {  	_ =	shalt  }
0x76: {  	_ =	shalt  }
0x77: {  	_ =	shalt  }
0x78: {  	_ =	shalt  }
0x79: {  	_ =	shalt  }
0x7a: {  	_ =	shalt  }
0x7b: {  	_ =	shalt  }
0x7c: {  	_ =	shalt  }
0x7d: {  	_ =	shalt  }
0x7e: {  	_ =	shalt  }
0x7f: {  	_ =	shalt  }
0x80: {  	_ =	shalt  }
0x81: {  	_ =	shalt  }
0x82: {  	_ =	shalt  }
0x83: {  	_ =	shalt  }
0x84: {  	_ =	shalt  }
0x85: {  	_ =	shalt  }
0x86: {  	_ =	shalt  }
0x87: {  	_ =	shalt  }
.Lfunc_end0:
.L_simem_size_0:
called_computation_lowered:
.L_overlay_start_0:
0x88: {  	s2 =	sld [smem:$0x3FD9]  }
0x89: {  	s3 =	sld [smem:$0x3FFE];
	_ =	sdelay $0x1  }
0x8a: {  	s1 =	srdreg.scid  }
0x8b: {  	s0 =	sand.u32 $0x1, s1  }
0x8c: {  	s14 =	sshll.u32 s0, $0xA;
	s2 =	sadd.s32 s3, s2  }
0x8d: {  	s2 =	sadd.s32 s2, s14  }
0x8e: {  	[smem:$0x3FC2] =	sst s2  }
0x8f: {  	_ = 	snop  }
0x90: {  	s2 =	sld [smem:$0x3FD0];
	_ =	sdelay $0x2  }
0x91: {  	s15 =	simm.s32 $0xA;
	s4 =	simm.s32 $0x10  }
0x92: {  	[smem:s4], [sflag:s15] =	dma.local [hbm:s2], $0x1  }
0x93: {  	_ =	swait.eq [sflag:s15], $0x1  }
0x94: {  	[sflag:s15] =	ssyncset.done $0x0  }
0x95: {  	[sflag:s15] =	ssyncadd.s32 $0xFFFFFFFF  }
0x96: {  	s16 =	sld [smem:$0x10];
	(tm) =	ssettm $0x1  }
0x97: {  	s17 =	sld [smem:$0x3FFB];
	_ =	sdelay $0x3  }
0x98: {  	_ =	strace s17  }
0x99: {  	s3 =	sld [smem:$0x3FFC];
	_ =	sdelay $0x3  }
0x9a: {  	_ =	strace s3  }
0x9b: {  	s3 =	sld [smem:$0x3FFD];
	_ =	sdelay $0x3  }
0x9c: {  	_ =	strace s3  }
0x9d: {  	_ =	strace $0x8FFFFFFF  }
0x9e: {  	s18 =	sld [smem:$0x3FDB];
	_ =	sdelay $0x1  }
0x9f: {  	s19 =	simm.s32 $_scs_section_size  }
0xa0: {  	s5 =	simm.s32 $_size__tile_overlayer_lowered;
	s6 =	simm.s32 $_tile_overlayer_lowered  }
0xa1: {  	s22 =	simm.s32 $0x1BFF;
	s21 =	sshll.u32 s6, $0x1;
	s3 =	sadd.s32 s19, s18  }
0xa2: {  	s7 =	simm.s32 $0x0;
	s20 =	sshll.u32 s5, $0x1;
	s5 =	sadd.s32 s21, s3  }
0xa3: {  	[timem:s7], [sflag:s22] =	dma.local [hbm:s5], s20  }
0xa4: {  	_ =	swait.ge [sflag:s22], s20  }
0xa5: {  	s4 =	ssub.s32 $0x0, s20;
	[sflag:s22] =	ssyncset.done $0x0  }
0xa6: {  	[sflag:s22] =	ssyncadd.s32 s4;
	_ =	sdelay $0x1  }
0xa7: {  	s23 =	simm.s32 $0x1B8B  }
0xa8: {  	_ =	swait.ge [sflag:s23], $0x1  }
0xa9: {  	[sflag:s23] =	ssyncset.done $0x0  }
0xaa: {  	s25 =	simm.s32 $0x1B8E;
	s24 =	sld [smem:$0x3FFE];
	[sflag:s23] =	ssyncadd.s32 $0xFFFFFFFF  }
0xab: {  	s26 =	simm.s32 $execute0_lowered;
	[smem:$0x3FD2] =	sst s25  }
0xac: {  	s5 =	sshll.u32 s26, $0x1;
	_ =	strace $0x80000046;
	[dreg:$0x1] =	wrdreg $0xFFFFFFFF  }
0xad: {  	s28 =	simm.s32 $_size_execute0_lowered;
	s3 =	sadd.s32 s3, s5;
	[dreg:$0x0] =	wrdreg $0x0  }
0xae: {  	s5 =	sshll.u32 s28, $0x1;
	[dreg:$0x2] =	wrdreg s3  }
0xaf: {  	[dreg:$0x3] =	wrdreg s5  }
0xb0: {  	[dreg:$0x4] =	wrdreg $0xC0  }
0xb1: {  	_ =	task [dreg:s7], $0x5FFFF  }
0xb2: {  	[dreg:$0x1] =	wrdreg $0xFFFFFFFF  }
0xb3: {  	[dreg:$0x0] =	wrdreg $0x60  }
0xb4: {  	[dreg:$0x2] =	wrdreg s24  }
0xb5: {  	[dreg:$0x3] =	wrdreg s16  }
0xb6: {  	[dreg:$0x4] =	wrdreg $0x9  }
0xb7: {  	_ =	task.clear_ibuf [dreg:s7], $0x5FFFF;
	_ =	strace $0x90000046  }
0xb8: {  	s29 =	simm.s32 $0x9;
	_ =	strace $0x8000004E  }
0xb9: {  	_ =	swait.ge [sflag:s29], $0x1  }
0xba: {  	[sflag:s29] =	ssyncadd.s32 $0xFFFFFFFF  }
0xbb: {  	_ =	strace $0x9000004E  }
0xbc: {  	_ =	sfence  }
0xbd: {  	s30 =	sld [smem:$0x0];
	_ =	sdelay $0x2  }
0xbe: {  	s31 =	sshll.u32 s1, $0xD;
	s1 =	sshrl.u32 s1, $0x2  }
0xbf: {  	s3 =	sand.u32 $0x4000, s31;
	s1 =	sadd.s32 s1, s30  }
0xc0: {  	s0 =	sor.u32 s3, s0;
	s1 =	sshll.u32 s1, $0x11  }
0xc1: {  	s0 =	sor.u32 s1, s0  }
0xc2: {  	s0 =	sadd.s32 $0x8F2B, s0  }
0xc3: {  	[sflag:s0] =	ssyncadd.remote.s32 $0x1  }
0xc4: {  	_ =	sfence.sel $0xFFFF  }
0xc5: {  	[dreg:$0x0] =	wrdreg $0xFFFFFFFF;
	(pc) =	sbr.abs _section_cstart, $3  }
0xc6: {  	[dreg:$0x1] =	wrdreg $0xFFFFFFFF  }
0xc7: {  	_ =	task.clear_ibuf [dreg:s7], $0x2FFFF;
	_ =	strace $0x9FFFFFFF  }
0xc8: {  	(tm) =	ssettm $0x7FFFFFFF  }
0xc9: {  	_ =	shalt  }
tec
execute0_lowered:
.L_overlay_start_1:
0x0: {  	(tag) =	ssettag $0x1  }
0x1: {  	s0 =	rddreg [dreg:$0x0]  }
0x2: {  	s1 =	rddreg [dreg:$0x1];
	s2 =	srdreg.scid  }
0x3: {  	s3 =	rddreg [dreg:$0x2];
	s4 =	simm.s32 $0x0;
	s2 =	sand.u32 $0x1, s2  }
0x4: {  	[smem:$0x7FF] =	sst s4;
	s4 =	stileid.u32;
	p0 =	seq.s32 s2, $0x1  }
0x5: {  	_ =	strace $0x80000047;
	s2 =	sadd.s32 $0x200, s0;
	s5 =	sshll.u32 @!p0 s4, $0xB  }
0x6: {  	_ =	strace @!p0 $0x80000048;
	s2 =	sadd.s32 @!p0 s2, s5;
	s5 =	simm.s32 @!p0 $0x0  }
0x7: {  	[tilespmem:s5], [sflag:$0x1] =	stream.linear.gather @!p0 [hbm4b:s2+s5], $0x4000, $0x200038;
	[tilespmem:$0x8100] =	vst v63  }
0x8: {  	s2 =	sshll.u32 @!p0 s4, $0x4  }
0x9: {  	s0 =	sadd.s32 @!p0 s0, s2;
	s2 =	simm.s32 @!p0 $0x8000  }
0xa: {  	[tilespmem:s2], [sflag:$0x3] =	stream.linear.gather @!p0 [hbm4b:s0+s5], $0x80, $0x200038;
	[tilespmem:$0x8100] =	vst v63  }
0xb: {  	_ =	strace @!p0 $0x90000048  }
0xc: {  	s0 =	simm.s32 @!p0 $0x1;
	_ =	strace @!p0 $0x8000004B  }
0xd: {  	_ =	swait.ge @!p0 [sflag:s0], $0x4000  }
0xe: {  	[sflag:s0] =	ssyncset.done @!p0 $0x0  }
0xf: {  	[sflag:s0] =	ssyncadd.s32 @!p0 $0xFFFFC000  }
0x10: {  	_ =	strace @!p0 $0x9000004B  }
0x11: {  	s0 =	simm.s32 @!p0 $0x3;
	_ =	strace @!p0 $0x8000004C  }
0x12: {  	_ =	swait.ge @!p0 [sflag:s0], $0x80  }
0x13: {  	[sflag:s0] =	ssyncset.done @!p0 $0x0  }
0x14: {  	[sflag:s0] =	ssyncadd.s32 @!p0 $0xFFFFFF80  }
0x15: {  	_ =	strace @!p0 $0x9000004C  }
0x16: {  	s0 =	simm.s32 @!p0 $0x80;
	_ =	strace @!p0 $0x8000004D  }
0x17: {  	[hbm4b:s1+s0] =	stream.indirect.scatter @!p0 [tilespmem:s5], [sflag:$0x5], $0x80, s2, s0, $0x2000b8;
	[tilespmem:$0x8100] =	vst v63  }
0x18: {  	s0 =	simm.s32 @!p0 $0x5  }
0x19: {  	_ =	swait.ge @!p0 [sflag:s0], $0x4000  }
0x1a: {  	[sflag:s0] =	ssyncset.done @!p0 $0x0  }
0x1b: {  	[sflag:s0] =	ssyncadd.s32 @!p0 $0xFFFFC000  }
0x1c: {  	_ =	strace @!p0 $0x9000004D  }
0x1d: {  	_ =	sfence.sel $0x180000  }
0x1e: {  	[bflag:$0x0] =	sbarrier.arrive $0xFFFF  }
0x1f: {  	p0 =	sne.s32 s4, $0x0;
	_ =	strace $0x90000047  }
0x20: {  	s0 =	sadd.s32 @!p0 $0x100000, s3;
	[bflag:$0x2] =	sbarrier.arrive $0xFFFF  }
0x21: {  	[sflag:s0] =	ssyncadd.tile.s32 @!p0 $0x1;
	_ =	shalt  }
.Lfunc_end2:
_tile_overlayer_lowered:
.L_overlay_start_2:
0x22: {  	(tag) =	ssettag $0x2  }
0x23: {  	s0 =	rddreg [dreg:$0x0];
	s2 =	stileid.u32  }
0x24: {  	s1 =	rddreg [dreg:$0x1];
	p0 =	sne.s32 s2, $0x0  }
0x25: {  	s3 =	rddreg [dreg:$0x2];
	[bflag:$0x3] =	sbarrier.arrive $0xFFFF;
	s2 =	simm.s32 @!p0 $0x1C01  }
0x26: {  	[timem:s3], [sflag:s2] =	dma.local @!p0 [hbm:s0], s1  }
0x27: {  	s0 =	simm.s32 @!p0 $0x1  }
0x28: {  	_ =	swait.ge @!p0 [sflag:s0], s1  }
0x29: {  	s1 =	ssub.s32 @!p0 $0x0, s1;
	[sflag:s0] =	ssyncset.done @!p0 $0x0  }
0x2a: {  	[sflag:s0] =	ssyncadd.s32 @!p0 s1  }
0x2b: {  	[bflag:$0x3] =	sbarrier.arrive $0xFFFF  }
0x2c: {  	_ =	shalt  }

</sc_bundles>
